<compile_context>
chip_gen: v7x
topology: tpu7x:2x2x1
jax: 0.10.2.dev20260603
libtpu: 0.0.44.dev20260713+nightly
codegen_flags: <defaults>
</compile_context>

<pallas_src>
import functools

import jax
import jax.numpy as jnp
from jax import lax
from jax.experimental import pallas as pl
from jax.experimental.pallas import tpu as pltpu
from jax.experimental.pallas import tpu_sc as plsc

N_DOMAIN = 26
VOCAB = 100000
DIM = 64
BATCH = 16384
NC, NS, L = 2, 16, 16
NW = NC * NS
PAIRS = N_DOMAIN * DIM
P_PER_W = PAIRS // NW
HALF_B = BATCH // 2


QVEC = BATCH // 4 // L


def _sc_body(tab_hbm, cond_hbm, out_hbm, row_v, idx_v, outc0, outc1,
             sem_r, sem_i, sem_o0, sem_o1):
    wid = lax.axis_index("s") * NC + lax.axis_index("c")
    pair0 = wid * P_PER_W
    outc = (outc0, outc1)
    sems = (sem_o0, sem_o1)

    def issue_row(pair, first):
        i = pair // DIM
        d = pair - i * DIM

        @pl.when((d == 0) | first)
        def _():
            pltpu.async_copy(cond_hbm.at[i, :], idx_v, sem_i).wait()

        pltpu.async_copy(tab_hbm.at[i, d, :], row_v, sem_r)

    issue_row(pair0, True)

    def do_pair(p, _):
        pair = pair0 + p
        i = pair // DIM
        d = pair - i * DIM
        h = d // 8
        w = d - h * 8

        pltpu.make_async_copy(tab_hbm.at[i, d, :], row_v, sem_r).wait()


        handles = [None, None]
        for q in range(4):
            buf = outc[q % 2]
            if handles[q % 2] is not None:
                handles[q % 2].wait()

            @plsc.parallel_loop(0, 32, unroll=8)
            def brow(r, _q=q, _buf=buf):
                base = _q * (QVEC * L) + r * 128
                for k in range(8):
                    v = idx_v[pl.ds(base + k * L, L)]
                    g = plsc.load_gather(row_v, [v])
                    _buf[r, pl.ds(k * L, L)] = g
            handles[q % 2] = pltpu.async_copy(
                buf, out_hbm.at[i, h, pl.ds(q * 32, 32), w, :], sems[q % 2])

        @pl.when(p + 1 < P_PER_W)
        def _():
            issue_row(pair + 1, False)

        handles[0].wait()
        handles[1].wait()
        return 0

    lax.fori_loop(0, P_PER_W, do_pair, 0)


@functools.cache
def _gather_call():
    return functools.partial(
        pl.kernel,
        mesh=plsc.VectorSubcoreMesh(core_axis_name="c", subcore_axis_name="s",
                                    num_cores=NC),
        out_type=jax.ShapeDtypeStruct((N_DOMAIN, 8, 128, 8, 128), jnp.float32),
        compiler_params=pltpu.CompilerParams(use_tc_tiling_on_sc=True,
                                             needs_layout_passes=False),
        scratch_types=[
            pltpu.VMEM((VOCAB,), jnp.float32),
            pltpu.VMEM((BATCH,), jnp.int32),
            pltpu.VMEM((32, 128), jnp.float32),
            pltpu.VMEM((32, 128), jnp.float32),
            pltpu.SemaphoreType.DMA,
            pltpu.SemaphoreType.DMA,
            pltpu.SemaphoreType.DMA,
            pltpu.SemaphoreType.DMA,
        ],
    )(_sc_body)


def kernel(conditions, tables):
    tab_t = jnp.transpose(tables, (0, 2, 1))
    cond_t = jnp.transpose(conditions.astype(jnp.int32), (1, 0))
    out5 = _gather_call()(tab_t, cond_t)
    out = jnp.transpose(out5, (2, 4, 0, 1, 3)).reshape(
        BATCH, N_DOMAIN, 8, 8)
    return out

# --- scband reference (transcript-rebuilt; emitter-appended) ---
"""Pipeline reference for scband-category-embedding-block-26156350832662 (READ-ONLY COPY).

The authoritative reference and input builder live on the scoring server;
editing this copy changes nothing except your own understanding.
"""

import jax, jax.numpy as jnp
import numpy as np

N_DOMAIN = 26
VOCAB = 100000
HEIGHT = 8
WIDTH = 8
DIM = HEIGHT * WIDTH
BATCH = 16384


def setup_inputs(seed: int = 0) -> dict:
    key = jax.random.key(seed)
    k_idx, k_tab = jax.random.split(key)
    conditions = jax.random.randint(k_idx, (BATCH, N_DOMAIN), 0, VOCAB, dtype=jnp.int64 if jax.config.read('jax_enable_x64') else jnp.int32)
    # One embedding table per domain; all domains share the same size here,
    # so we materialize them as a stacked array [n_domain, vocab, dim].
    tables = jax.random.normal(k_tab, (N_DOMAIN, VOCAB, DIM), dtype=jnp.float32)
    return {"conditions": conditions, "tables": tables}


def reference(conditions, tables):
    # For each domain i: gather tables[i] at conditions[:, i], stack along dim=1.
    # out[b, i, :] = tables[i, conditions[b, i], :]
    dom_idx = jnp.arange(N_DOMAIN)  # shape [n_domain]
    gathered = tables[dom_idx, conditions]  # [batch, n_domain, dim]
    out = gathered.reshape(gathered.shape[0], -1, HEIGHT, WIDTH)
    return out

if __name__ == "__main__":
    import jax
    _d = setup_inputs()
    print(jax.jit(kernel)(*tuple(_d.values())))

</pallas_src>

<mosaic_0001>
#map = affine_map<(d0, d1) -> (0, 0, 0)>
#map1 = affine_map<(d0, d1) -> (0, 0)>
#map2 = affine_map<(d0, d1) -> (0, 0, 0, 0, 0)>
module attributes {stable_mosaic.version = 14 : i64} {
  func.func @_sc_body(%arg0: i32, %arg1: i32, %arg2: memref<26x64x100000xf32, #tpu.memory_space<hbm>>, %arg3: memref<26x16384xi32, #tpu.memory_space<hbm>>, %arg4: memref<26x8x128x8x128xf32, #tpu.memory_space<hbm>>, %arg5: memref<100000xf32, #tpu.memory_space<vmem>>, %arg6: memref<16384xi32, #tpu.memory_space<vmem>>, %arg7: memref<32x128xf32, #tpu.memory_space<vmem>>, %arg8: memref<32x128xf32, #tpu.memory_space<vmem>>, %arg9: memref<!tpu.dma_semaphore, #tpu.memory_space<semaphore_mem>>, %arg10: memref<!tpu.dma_semaphore, #tpu.memory_space<semaphore_mem>>, %arg11: memref<!tpu.dma_semaphore, #tpu.memory_space<semaphore_mem>>, %arg12: memref<!tpu.dma_semaphore, #tpu.memory_space<semaphore_mem>>) attributes {dimension_semantics = [#tpu.dimension_semantics<core_parallel>, #tpu.dimension_semantics<subcore_parallel>], iteration_bounds = array<i64: 2, 16>, scalar_prefetch = 0 : i64, scratch_operands = 8 : i64, tpu.core_type = #tpu.core_type<sc_vector_subcore>, window_params = [{transform_indices = #map}, {transform_indices = #map1}, {transform_indices = #map2}]} {
    %mul3A = arith.constant 2 : i32
    %mul3A_0 = arith.muli %arg1, %mul3A : i32
    %add3A = arith.addi %mul3A_0, %arg0 : i32
    %mul3A_1 = arith.constant 52 : i32
    %mul3A_2 = arith.muli %add3A, %mul3A_1 : i32
    %jit3A = arith.constant 64 : i32
    %div3A = arith.divsi %mul3A_2, %jit3A : i32
    %sign3A = arith.constant 0 : i32
    %sign3A_3 = arith.cmpi sgt, %mul3A_2, %sign3A : i32
    %sign3A_4 = arith.extui %sign3A_3 : i1 to i32
    %sign3A_5 = arith.constant 0 : i32
    %sign3A_6 = arith.cmpi slt, %mul3A_2, %sign3A_5 : i32
    %sign3A_7 = arith.extui %sign3A_6 : i1 to i32
    %sign3A_8 = arith.subi %sign3A_4, %sign3A_7 : i32
    %sign3A_9 = arith.constant 0 : i32
    %sign3A_10 = arith.cmpi sgt, %jit3A, %sign3A_9 : i32
    %sign3A_11 = arith.extui %sign3A_10 : i1 to i32
    %sign3A_12 = arith.constant 0 : i32
    %sign3A_13 = arith.cmpi slt, %jit3A, %sign3A_12 : i32
    %sign3A_14 = arith.extui %sign3A_13 : i1 to i32
    %sign3A_15 = arith.subi %sign3A_11, %sign3A_14 : i32
    %ne3A = arith.cmpi ne, %sign3A_8, %sign3A_15 : i32
    %rem3A = arith.remsi %mul3A_2, %jit3A : i32
    %ne3A_16 = arith.constant 0 : i32
    %ne3A_17 = arith.cmpi ne, %rem3A, %ne3A_16 : i32
    %and3A = arith.andi %ne3A, %ne3A_17 : i1
    %sub3A = arith.constant 1 : i32
    %sub3A_18 = arith.subi %div3A, %sub3A : i32
    %select_n3A = arith.select %and3A, %sub3A_18, %div3A : i32
    %mul3A_19 = arith.constant 64 : i32
    %mul3A_20 = arith.muli %select_n3A, %mul3A_19 : i32
    %sub3A_21 = arith.subi %mul3A_2, %mul3A_20 : i32
    %eq3A = arith.constant 0 : i32
    %eq3A_22 = arith.cmpi eq, %sub3A_21, %eq3A : i32
    %or3A = arith.constant true
    %or3A_23 = arith.ori %eq3A_22, %or3A : i1
    %convert_element_type3A = arith.extui %or3A_23 : i1 to i32
    %cond3A = arith.constant 0 : i32
    %cond3A_24 = arith.cmpi ne, %convert_element_type3A, %cond3A : i32
    scf.if %cond3A_24 {
      %dma_start3A_36 = arith.constant 0 : i32
      %dma_start3A_37 = tpu.memref_slice %arg3[%select_n3A, %dma_start3A_36] : memref<26x16384xi32, #tpu.memory_space<hbm>> -> memref<1x16384xi32, #tpu.memory_space<hbm>>
      %dma_start3A_38 = tpu.memref_squeeze %dma_start3A_37 : memref<1x16384xi32, #tpu.memory_space<hbm>> -> memref<16384xi32, #tpu.memory_space<hbm>>
      %dma_start3A_39 = arith.constant 0 : i32
      %dma_start3A_40 = tpu.memref_slice %arg3[%select_n3A, %dma_start3A_39] : memref<26x16384xi32, #tpu.memory_space<hbm>> -> memref<1x16384xi32, #tpu.memory_space<hbm>>
      %dma_start3A_41 = tpu.memref_squeeze %dma_start3A_40 : memref<1x16384xi32, #tpu.memory_space<hbm>> -> memref<16384xi32, #tpu.memory_space<hbm>>
      tpu.enqueue_dma source(%dma_start3A_41 : memref<16384xi32, #tpu.memory_space<hbm>>) target(%arg6 : memref<16384xi32, #tpu.memory_space<vmem>>) target_semaphore(%arg10 : memref<!tpu.dma_semaphore, #tpu.memory_space<semaphore_mem>>)
      %dma_wait3A = arith.constant 0 : i32
      %dma_wait3A_42 = tpu.memref_slice %arg3[%select_n3A, %dma_wait3A] : memref<26x16384xi32, #tpu.memory_space<hbm>> -> memref<1x16384xi32, #tpu.memory_space<hbm>>
      %dma_wait3A_43 = tpu.memref_squeeze %dma_wait3A_42 : memref<1x16384xi32, #tpu.memory_space<hbm>> -> memref<16384xi32, #tpu.memory_space<hbm>>
      %dma_wait3A_44 = arith.constant 0 : i32
      %dma_wait3A_45 = tpu.memref_slice %arg3[%select_n3A, %dma_wait3A_44] : memref<26x16384xi32, #tpu.memory_space<hbm>> -> memref<1x16384xi32, #tpu.memory_space<hbm>>
      %dma_wait3A_46 = tpu.memref_squeeze %dma_wait3A_45 : memref<1x16384xi32, #tpu.memory_space<hbm>> -> memref<16384xi32, #tpu.memory_space<hbm>>
      tpu.wait_dma2 semaphore(%arg10 : memref<!tpu.dma_semaphore, #tpu.memory_space<semaphore_mem>>) src(%dma_wait3A_46 : memref<16384xi32, #tpu.memory_space<hbm>>) dst(%arg6 : memref<16384xi32, #tpu.memory_space<vmem>>)
    } else {
    }
    %dma_start3A = arith.constant 0 : i32
    %dma_start3A_25 = tpu.memref_slice %arg2[%select_n3A, %sub3A_21, %dma_start3A] : memref<26x64x100000xf32, #tpu.memory_space<hbm>> -> memref<1x1x100000xf32, #tpu.memory_space<hbm>>
    %dma_start3A_26 = tpu.memref_squeeze %dma_start3A_25 : memref<1x1x100000xf32, #tpu.memory_space<hbm>> -> memref<100000xf32, #tpu.memory_space<hbm>>
    %dma_start3A_27 = arith.constant 0 : i32
    %dma_start3A_28 = tpu.memref_slice %arg2[%select_n3A, %sub3A_21, %dma_start3A_27] : memref<26x64x100000xf32, #tpu.memory_space<hbm>> -> memref<1x1x100000xf32, #tpu.memory_space<hbm>>
    %dma_start3A_29 = tpu.memref_squeeze %dma_start3A_28 : memref<1x1x100000xf32, #tpu.memory_space<hbm>> -> memref<100000xf32, #tpu.memory_space<hbm>>
    tpu.enqueue_dma source(%dma_start3A_29 : memref<100000xf32, #tpu.memory_space<hbm>>) target(%arg5 : memref<100000xf32, #tpu.memory_space<vmem>>) target_semaphore(%arg9 : memref<!tpu.dma_semaphore, #tpu.memory_space<semaphore_mem>>)
    %scan3A = arith.constant 0 : i32
    %scan3A_30 = arith.constant 0 : i32
    %scan3A_31 = arith.constant 52 : i32
    %scan3A_32 = arith.addi %scan3A_30, %scan3A_31 : i32
    %scan3A_33 = arith.constant 1 : i32
    %scan3A_34 = scf.for %scan3A_36 = %scan3A_30 to %scan3A_32 step %scan3A_33 iter_args(%scan3A_37 = %scan3A) -> (i32)  : i32 {
      %add3A_38 = arith.addi %mul3A_2, %scan3A_36 : i32
      %jit3A_39 = arith.constant 64 : i32
      %div3A_40 = arith.divsi %add3A_38, %jit3A_39 : i32
      %sign3A_41 = arith.constant 0 : i32
      %sign3A_42 = arith.cmpi sgt, %add3A_38, %sign3A_41 : i32
      %sign3A_43 = arith.extui %sign3A_42 : i1 to i32
      %sign3A_44 = arith.constant 0 : i32
      %sign3A_45 = arith.cmpi slt, %add3A_38, %sign3A_44 : i32
      %sign3A_46 = arith.extui %sign3A_45 : i1 to i32
      %sign3A_47 = arith.subi %sign3A_43, %sign3A_46 : i32
      %sign3A_48 = arith.constant 0 : i32
      %sign3A_49 = arith.cmpi sgt, %jit3A_39, %sign3A_48 : i32
      %sign3A_50 = arith.extui %sign3A_49 : i1 to i32
      %sign3A_51 = arith.constant 0 : i32
      %sign3A_52 = arith.cmpi slt, %jit3A_39, %sign3A_51 : i32
      %sign3A_53 = arith.extui %sign3A_52 : i1 to i32
      %sign3A_54 = arith.subi %sign3A_50, %sign3A_53 : i32
      %ne3A_55 = arith.cmpi ne, %sign3A_47, %sign3A_54 : i32
      %rem3A_56 = arith.remsi %add3A_38, %jit3A_39 : i32
      %ne3A_57 = arith.constant 0 : i32
      %ne3A_58 = arith.cmpi ne, %rem3A_56, %ne3A_57 : i32
      %and3A_59 = arith.andi %ne3A_55, %ne3A_58 : i1
      %sub3A_60 = arith.constant 1 : i32
      %sub3A_61 = arith.subi %div3A_40, %sub3A_60 : i32
      %select_n3A_62 = arith.select %and3A_59, %sub3A_61, %div3A_40 : i32
      %mul3A_63 = arith.constant 64 : i32
      %mul3A_64 = arith.muli %select_n3A_62, %mul3A_63 : i32
      %sub3A_65 = arith.subi %add3A_38, %mul3A_64 : i32
      %jit3A_66 = arith.constant 8 : i32
      %div3A_67 = arith.divsi %sub3A_65, %jit3A_66 : i32
      %sign3A_68 = arith.constant 0 : i32
      %sign3A_69 = arith.cmpi sgt, %sub3A_65, %sign3A_68 : i32
      %sign3A_70 = arith.extui %sign3A_69 : i1 to i32
      %sign3A_71 = arith.constant 0 : i32
      %sign3A_72 = arith.cmpi slt, %sub3A_65, %sign3A_71 : i32
      %sign3A_73 = arith.extui %sign3A_72 : i1 to i32
      %sign3A_74 = arith.subi %sign3A_70, %sign3A_73 : i32
      %sign3A_75 = arith.constant 0 : i32
      %sign3A_76 = arith.cmpi sgt, %jit3A_66, %sign3A_75 : i32
      %sign3A_77 = arith.extui %sign3A_76 : i1 to i32
      %sign3A_78 = arith.constant 0 : i32
      %sign3A_79 = arith.cmpi slt, %jit3A_66, %sign3A_78 : i32
      %sign3A_80 = arith.extui %sign3A_79 : i1 to i32
      %sign3A_81 = arith.subi %sign3A_77, %sign3A_80 : i32
      %ne3A_82 = arith.cmpi ne, %sign3A_74, %sign3A_81 : i32
      %rem3A_83 = arith.remsi %sub3A_65, %jit3A_66 : i32
      %ne3A_84 = arith.constant 0 : i32
      %ne3A_85 = arith.cmpi ne, %rem3A_83, %ne3A_84 : i32
      %and3A_86 = arith.andi %ne3A_82, %ne3A_85 : i1
      %sub3A_87 = arith.constant 1 : i32
      %sub3A_88 = arith.subi %div3A_67, %sub3A_87 : i32
      %select_n3A_89 = arith.select %and3A_86, %sub3A_88, %div3A_67 : i32
      %mul3A_90 = arith.constant 8 : i32
      %mul3A_91 = arith.muli %select_n3A_89, %mul3A_90 : i32
      %sub3A_92 = arith.subi %sub3A_65, %mul3A_91 : i32
      %dma_wait3A = arith.constant 0 : i32
      %dma_wait3A_93 = tpu.memref_slice %arg2[%select_n3A_62, %sub3A_65, %dma_wait3A] : memref<26x64x100000xf32, #tpu.memory_space<hbm>> -> memref<1x1x100000xf32, #tpu.memory_space<hbm>>
      %dma_wait3A_94 = tpu.memref_squeeze %dma_wait3A_93 : memref<1x1x100000xf32, #tpu.memory_space<hbm>> -> memref<100000xf32, #tpu.memory_space<hbm>>
      %dma_wait3A_95 = arith.constant 0 : i32
      %dma_wait3A_96 = tpu.memref_slice %arg2[%select_n3A_62, %sub3A_65, %dma_wait3A_95] : memref<26x64x100000xf32, #tpu.memory_space<hbm>> -> memref<1x1x100000xf32, #tpu.memory_space<hbm>>
      %dma_wait3A_97 = tpu.memref_squeeze %dma_wait3A_96 : memref<1x1x100000xf32, #tpu.memory_space<hbm>> -> memref<100000xf32, #tpu.memory_space<hbm>>
      tpu.wait_dma2 semaphore(%arg9 : memref<!tpu.dma_semaphore, #tpu.memory_space<semaphore_mem>>) src(%dma_wait3A_97 : memref<100000xf32, #tpu.memory_space<hbm>>) dst(%arg5 : memref<100000xf32, #tpu.memory_space<vmem>>)
      %parallel_loop3A = arith.constant 0 : i32
      %parallel_loop3A_98 = arith.constant 32 : i32
      %parallel_loop3A_99 = arith.constant 1 : i32
      scf.for %parallel_loop3A_180 = %parallel_loop3A to %parallel_loop3A_98 step %parallel_loop3A_99  : i32 {
        %parallel_loop3A_181 = arith.constant 128 : i32
        %parallel_loop3A_182 = arith.muli %parallel_loop3A_180, %parallel_loop3A_181 : i32
        %parallel_loop3A_183 = arith.constant 0 : i32
        %parallel_loop3A_184 = arith.addi %parallel_loop3A_183, %parallel_loop3A_182 : i32
        %parallel_loop3A_185 = arith.constant 0 : i32
        %parallel_loop3A_186 = arith.addi %parallel_loop3A_184, %parallel_loop3A_185 : i32
        %parallel_loop3A_187 = arith.index_cast %parallel_loop3A_186 : i32 to index
        %parallel_loop3A_188 = tpu.vector_load %arg6[%parallel_loop3A_187] {strides = array<i32>} : memref<16384xi32, #tpu.memory_space<vmem>>, vector<16xi32>,
        %parallel_loop3A_189 = tpu.vector_load_idx %arg5[%parallel_loop3A_188] : memref<100000xf32, #tpu.memory_space<vmem>>[vector<16xi32>], vector<16xf32>,
        %parallel_loop3A_190 = arith.index_cast %parallel_loop3A_180 : i32 to index
        %parallel_loop3A_191 = arith.constant 0 : index
        %parallel_loop3A_192 = tpu.vector_load %arg7[%parallel_loop3A_190, %parallel_loop3A_191] {strides = array<i32>} : memref<32x128xf32, #tpu.memory_space<vmem>>, vector<16xf32>,
        tpu.vector_store %arg7[%parallel_loop3A_190, %parallel_loop3A_191], %parallel_loop3A_189 {strides = array<i32>} : memref<32x128xf32, #tpu.memory_space<vmem>>, vector<16xf32>,
        %parallel_loop3A_193 = arith.constant 16 : i32
        %parallel_loop3A_194 = arith.addi %parallel_loop3A_184, %parallel_loop3A_193 : i32
        %parallel_loop3A_195 = arith.index_cast %parallel_loop3A_194 : i32 to index
        %parallel_loop3A_196 = tpu.vector_load %arg6[%parallel_loop3A_195] {strides = array<i32>} : memref<16384xi32, #tpu.memory_space<vmem>>, vector<16xi32>,
        %parallel_loop3A_197 = tpu.vector_load_idx %arg5[%parallel_loop3A_196] : memref<100000xf32, #tpu.memory_space<vmem>>[vector<16xi32>], vector<16xf32>,
        %parallel_loop3A_198 = arith.index_cast %parallel_loop3A_180 : i32 to index
        %parallel_loop3A_199 = arith.constant 16 : index
        %parallel_loop3A_200 = tpu.vector_load %arg7[%parallel_loop3A_198, %parallel_loop3A_199] {strides = array<i32>} : memref<32x128xf32, #tpu.memory_space<vmem>>, vector<16xf32>,
        tpu.vector_store %arg7[%parallel_loop3A_198, %parallel_loop3A_199], %parallel_loop3A_197 {strides = array<i32>} : memref<32x128xf32, #tpu.memory_space<vmem>>, vector<16xf32>,
        %parallel_loop3A_201 = arith.constant 32 : i32
        %parallel_loop3A_202 = arith.addi %parallel_loop3A_184, %parallel_loop3A_201 : i32
        %parallel_loop3A_203 = arith.index_cast %parallel_loop3A_202 : i32 to index
        %parallel_loop3A_204 = tpu.vector_load %arg6[%parallel_loop3A_203] {strides = array<i32>} : memref<16384xi32, #tpu.memory_space<vmem>>, vector<16xi32>,
        %parallel_loop3A_205 = tpu.vector_load_idx %arg5[%parallel_loop3A_204] : memref<100000xf32, #tpu.memory_space<vmem>>[vector<16xi32>], vector<16xf32>,
        %parallel_loop3A_206 = arith.index_cast %parallel_loop3A_180 : i32 to index
        %parallel_loop3A_207 = arith.constant 32 : index
        %parallel_loop3A_208 = tpu.vector_load %arg7[%parallel_loop3A_206, %parallel_loop3A_207] {strides = array<i32>} : memref<32x128xf32, #tpu.memory_space<vmem>>, vector<16xf32>,
        tpu.vector_store %arg7[%parallel_loop3A_206, %parallel_loop3A_207], %parallel_loop3A_205 {strides = array<i32>} : memref<32x128xf32, #tpu.memory_space<vmem>>, vector<16xf32>,
        %parallel_loop3A_209 = arith.constant 48 : i32
        %parallel_loop3A_210 = arith.addi %parallel_loop3A_184, %parallel_loop3A_209 : i32
        %parallel_loop3A_211 = arith.index_cast %parallel_loop3A_210 : i32 to index
        %parallel_loop3A_212 = tpu.vector_load %arg6[%parallel_loop3A_211] {strides = array<i32>} : memref<16384xi32, #tpu.memory_space<vmem>>, vector<16xi32>,
        %parallel_loop3A_213 = tpu.vector_load_idx %arg5[%parallel_loop3A_212] : memref<100000xf32, #tpu.memory_space<vmem>>[vector<16xi32>], vector<16xf32>,
        %parallel_loop3A_214 = arith.index_cast %parallel_loop3A_180 : i32 to index
        %parallel_loop3A_215 = arith.constant 48 : index
        %parallel_loop3A_216 = tpu.vector_load %arg7[%parallel_loop3A_214, %parallel_loop3A_215] {strides = array<i32>} : memref<32x128xf32, #tpu.memory_space<vmem>>, vector<16xf32>,
        tpu.vector_store %arg7[%parallel_loop3A_214, %parallel_loop3A_215], %parallel_loop3A_213 {strides = array<i32>} : memref<32x128xf32, #tpu.memory_space<vmem>>, vector<16xf32>,
        %parallel_loop3A_217 = arith.constant 64 : i32
        %parallel_loop3A_218 = arith.addi %parallel_loop3A_184, %parallel_loop3A_217 : i32
        %parallel_loop3A_219 = arith.index_cast %parallel_loop3A_218 : i32 to index
        %parallel_loop3A_220 = tpu.vector_load %arg6[%parallel_loop3A_219] {strides = array<i32>} : memref<16384xi32, #tpu.memory_space<vmem>>, vector<16xi32>,
        %parallel_loop3A_221 = tpu.vector_load_idx %arg5[%parallel_loop3A_220] : memref<100000xf32, #tpu.memory_space<vmem>>[vector<16xi32>], vector<16xf32>,
        %parallel_loop3A_222 = arith.index_cast %parallel_loop3A_180 : i32 to index
        %parallel_loop3A_223 = arith.constant 64 : index
        %parallel_loop3A_224 = tpu.vector_load %arg7[%parallel_loop3A_222, %parallel_loop3A_223] {strides = array<i32>} : memref<32x128xf32, #tpu.memory_space<vmem>>, vector<16xf32>,
        tpu.vector_store %arg7[%parallel_loop3A_222, %parallel_loop3A_223], %parallel_loop3A_221 {strides = array<i32>} : memref<32x128xf32, #tpu.memory_space<vmem>>, vector<16xf32>,
        %parallel_loop3A_225 = arith.constant 80 : i32
        %parallel_loop3A_226 = arith.addi %parallel_loop3A_184, %parallel_loop3A_225 : i32
        %parallel_loop3A_227 = arith.index_cast %parallel_loop3A_226 : i32 to index
        %parallel_loop3A_228 = tpu.vector_load %arg6[%parallel_loop3A_227] {strides = array<i32>} : memref<16384xi32, #tpu.memory_space<vmem>>, vector<16xi32>,
        %parallel_loop3A_229 = tpu.vector_load_idx %arg5[%parallel_loop3A_228] : memref<100000xf32, #tpu.memory_space<vmem>>[vector<16xi32>], vector<16xf32>,
        %parallel_loop3A_230 = arith.index_cast %parallel_loop3A_180 : i32 to index
        %parallel_loop3A_231 = arith.constant 80 : index
        %parallel_loop3A_232 = tpu.vector_load %arg7[%parallel_loop3A_230, %parallel_loop3A_231] {strides = array<i32>} : memref<32x128xf32, #tpu.memory_space<vmem>>, vector<16xf32>,
        tpu.vector_store %arg7[%parallel_loop3A_230, %parallel_loop3A_231], %parallel_loop3A_229 {strides = array<i32>} : memref<32x128xf32, #tpu.memory_space<vmem>>, vector<16xf32>,
        %parallel_loop3A_233 = arith.constant 96 : i32
        %parallel_loop3A_234 = arith.addi %parallel_loop3A_184, %parallel_loop3A_233 : i32
        %parallel_loop3A_235 = arith.index_cast %parallel_loop3A_234 : i32 to index
        %parallel_loop3A_236 = tpu.vector_load %arg6[%parallel_loop3A_235] {strides = array<i32>} : memref<16384xi32, #tpu.memory_space<vmem>>, vector<16xi32>,
        %parallel_loop3A_237 = tpu.vector_load_idx %arg5[%parallel_loop3A_236] : memref<100000xf32, #tpu.memory_space<vmem>>[vector<16xi32>], vector<16xf32>,
        %parallel_loop3A_238 = arith.index_cast %parallel_loop3A_180 : i32 to index
        %parallel_loop3A_239 = arith.constant 96 : index
        %parallel_loop3A_240 = tpu.vector_load %arg7[%parallel_loop3A_238, %parallel_loop3A_239] {strides = array<i32>} : memref<32x128xf32, #tpu.memory_space<vmem>>, vector<16xf32>,
        tpu.vector_store %arg7[%parallel_loop3A_238, %parallel_loop3A_239], %parallel_loop3A_237 {strides = array<i32>} : memref<32x128xf32, #tpu.memory_space<vmem>>, vector<16xf32>,
        %parallel_loop3A_241 = arith.constant 112 : i32
        %parallel_loop3A_242 = arith.addi %parallel_loop3A_184, %parallel_loop3A_241 : i32
        %parallel_loop3A_243 = arith.index_cast %parallel_loop3A_242 : i32 to index
        %parallel_loop3A_244 = tpu.vector_load %arg6[%parallel_loop3A_243] {strides = array<i32>} : memref<16384xi32, #tpu.memory_space<vmem>>, vector<16xi32>,
        %parallel_loop3A_245 = tpu.vector_load_idx %arg5[%parallel_loop3A_244] : memref<100000xf32, #tpu.memory_space<vmem>>[vector<16xi32>], vector<16xf32>,
        %parallel_loop3A_246 = arith.index_cast %parallel_loop3A_180 : i32 to index
        %parallel_loop3A_247 = arith.constant 112 : index
        %parallel_loop3A_248 = tpu.vector_load %arg7[%parallel_loop3A_246, %parallel_loop3A_247] {strides = array<i32>} : memref<32x128xf32, #tpu.memory_space<vmem>>, vector<16xf32>,
        tpu.vector_store %arg7[%parallel_loop3A_246, %parallel_loop3A_247], %parallel_loop3A_245 {strides = array<i32>} : memref<32x128xf32, #tpu.memory_space<vmem>>, vector<16xf32>,
      } {sc.loop_unroll_factor = 8 : i64, sc.parallel_access}
      %dma_start3A_100 = arith.constant 0 : i32
      %dma_start3A_101 = arith.constant 0 : i32
      %dma_start3A_102 = tpu.memref_slice %arg4[%select_n3A_62, %select_n3A_89, %dma_start3A_100, %sub3A_92, %dma_start3A_101] : memref<26x8x128x8x128xf32, #tpu.memory_space<hbm>> -> memref<1x1x32x1x128xf32, #tpu.memory_space<hbm>>
      %dma_start3A_103 = tpu.memref_squeeze %dma_start3A_102 : memref<1x1x32x1x128xf32, #tpu.memory_space<hbm>> -> memref<32x128xf32, #tpu.memory_space<hbm>>
      %dma_start3A_104 = arith.constant 0 : i32
      %dma_start3A_105 = arith.constant 0 : i32
      %dma_start3A_106 = tpu.memref_slice %arg4[%select_n3A_62, %select_n3A_89, %dma_start3A_104, %sub3A_92, %dma_start3A_105] : memref<26x8x128x8x128xf32, #tpu.memory_space<hbm>> -> memref<1x1x32x1x128xf32, #tpu.memory_space<hbm>>
      %dma_start3A_107 = tpu.memref_squeeze %dma_start3A_106 : memref<1x1x32x1x128xf32, #tpu.memory_space<hbm>> -> memref<32x128xf32, #tpu.memory_space<hbm>>
      tpu.enqueue_dma source(%arg7 : memref<32x128xf32, #tpu.memory_space<vmem>>) target(%dma_start3A_107 : memref<32x128xf32, #tpu.memory_space<hbm>>) target_semaphore(%arg11 : memref<!tpu.dma_semaphore, #tpu.memory_space<semaphore_mem>>)
      %parallel_loop3A_108 = arith.constant 0 : i32
      %parallel_loop3A_109 = arith.constant 32 : i32
      %parallel_loop3A_110 = arith.constant 1 : i32
      scf.for %parallel_loop3A_180 = %parallel_loop3A_108 to %parallel_loop3A_109 step %parallel_loop3A_110  : i32 {
        %parallel_loop3A_181 = arith.constant 128 : i32
        %parallel_loop3A_182 = arith.muli %parallel_loop3A_180, %parallel_loop3A_181 : i32
        %parallel_loop3A_183 = arith.constant 4096 : i32
        %parallel_loop3A_184 = arith.addi %parallel_loop3A_183, %parallel_loop3A_182 : i32
        %parallel_loop3A_185 = arith.constant 0 : i32
        %parallel_loop3A_186 = arith.addi %parallel_loop3A_184, %parallel_loop3A_185 : i32
        %parallel_loop3A_187 = arith.index_cast %parallel_loop3A_186 : i32 to index
        %parallel_loop3A_188 = tpu.vector_load %arg6[%parallel_loop3A_187] {strides = array<i32>} : memref<16384xi32, #tpu.memory_space<vmem>>, vector<16xi32>,
        %parallel_loop3A_189 = tpu.vector_load_idx %arg5[%parallel_loop3A_188] : memref<100000xf32, #tpu.memory_space<vmem>>[vector<16xi32>], vector<16xf32>,
        %parallel_loop3A_190 = arith.index_cast %parallel_loop3A_180 : i32 to index
        %parallel_loop3A_191 = arith.constant 0 : index
        %parallel_loop3A_192 = tpu.vector_load %arg8[%parallel_loop3A_190, %parallel_loop3A_191] {strides = array<i32>} : memref<32x128xf32, #tpu.memory_space<vmem>>, vector<16xf32>,
        tpu.vector_store %arg8[%parallel_loop3A_190, %parallel_loop3A_191], %parallel_loop3A_189 {strides = array<i32>} : memref<32x128xf32, #tpu.memory_space<vmem>>, vector<16xf32>,
        %parallel_loop3A_193 = arith.constant 16 : i32
        %parallel_loop3A_194 = arith.addi %parallel_loop3A_184, %parallel_loop3A_193 : i32
        %parallel_loop3A_195 = arith.index_cast %parallel_loop3A_194 : i32 to index
        %parallel_loop3A_196 = tpu.vector_load %arg6[%parallel_loop3A_195] {strides = array<i32>} : memref<16384xi32, #tpu.memory_space<vmem>>, vector<16xi32>,
        %parallel_loop3A_197 = tpu.vector_load_idx %arg5[%parallel_loop3A_196] : memref<100000xf32, #tpu.memory_space<vmem>>[vector<16xi32>], vector<16xf32>,
        %parallel_loop3A_198 = arith.index_cast %parallel_loop3A_180 : i32 to index
        %parallel_loop3A_199 = arith.constant 16 : index
        %parallel_loop3A_200 = tpu.vector_load %arg8[%parallel_loop3A_198, %parallel_loop3A_199] {strides = array<i32>} : memref<32x128xf32, #tpu.memory_space<vmem>>, vector<16xf32>,
        tpu.vector_store %arg8[%parallel_loop3A_198, %parallel_loop3A_199], %parallel_loop3A_197 {strides = array<i32>} : memref<32x128xf32, #tpu.memory_space<vmem>>, vector<16xf32>,
        %parallel_loop3A_201 = arith.constant 32 : i32
        %parallel_loop3A_202 = arith.addi %parallel_loop3A_184, %parallel_loop3A_201 : i32
        %parallel_loop3A_203 = arith.index_cast %parallel_loop3A_202 : i32 to index
        %parallel_loop3A_204 = tpu.vector_load %arg6[%parallel_loop3A_203] {strides = array<i32>} : memref<16384xi32, #tpu.memory_space<vmem>>, vector<16xi32>,
        %parallel_loop3A_205 = tpu.vector_load_idx %arg5[%parallel_loop3A_204] : memref<100000xf32, #tpu.memory_space<vmem>>[vector<16xi32>], vector<16xf32>,
        %parallel_loop3A_206 = arith.index_cast %parallel_loop3A_180 : i32 to index
        %parallel_loop3A_207 = arith.constant 32 : index
        %parallel_loop3A_208 = tpu.vector_load %arg8[%parallel_loop3A_206, %parallel_loop3A_207] {strides = array<i32>} : memref<32x128xf32, #tpu.memory_space<vmem>>, vector<16xf32>,
        tpu.vector_store %arg8[%parallel_loop3A_206, %parallel_loop3A_207], %parallel_loop3A_205 {strides = array<i32>} : memref<32x128xf32, #tpu.memory_space<vmem>>, vector<16xf32>,
        %parallel_loop3A_209 = arith.constant 48 : i32
        %parallel_loop3A_210 = arith.addi %parallel_loop3A_184, %parallel_loop3A_209 : i32
        %parallel_loop3A_211 = arith.index_cast %parallel_loop3A_210 : i32 to index
        %parallel_loop3A_212 = tpu.vector_load %arg6[%parallel_loop3A_211] {strides = array<i32>} : memref<16384xi32, #tpu.memory_space<vmem>>, vector<16xi32>,
        %parallel_loop3A_213 = tpu.vector_load_idx %arg5[%parallel_loop3A_212] : memref<100000xf32, #tpu.memory_space<vmem>>[vector<16xi32>], vector<16xf32>,
        %parallel_loop3A_214 = arith.index_cast %parallel_loop3A_180 : i32 to index
        %parallel_loop3A_215 = arith.constant 48 : index
        %parallel_loop3A_216 = tpu.vector_load %arg8[%parallel_loop3A_214, %parallel_loop3A_215] {strides = array<i32>} : memref<32x128xf32, #tpu.memory_space<vmem>>, vector<16xf32>,
        tpu.vector_store %arg8[%parallel_loop3A_214, %parallel_loop3A_215], %parallel_loop3A_213 {strides = array<i32>} : memref<32x128xf32, #tpu.memory_space<vmem>>, vector<16xf32>,
        %parallel_loop3A_217 = arith.constant 64 : i32
        %parallel_loop3A_218 = arith.addi %parallel_loop3A_184, %parallel_loop3A_217 : i32
        %parallel_loop3A_219 = arith.index_cast %parallel_loop3A_218 : i32 to index
        %parallel_loop3A_220 = tpu.vector_load %arg6[%parallel_loop3A_219] {strides = array<i32>} : memref<16384xi32, #tpu.memory_space<vmem>>, vector<16xi32>,
        %parallel_loop3A_221 = tpu.vector_load_idx %arg5[%parallel_loop3A_220] : memref<100000xf32, #tpu.memory_space<vmem>>[vector<16xi32>], vector<16xf32>,
        %parallel_loop3A_222 = arith.index_cast %parallel_loop3A_180 : i32 to index
        %parallel_loop3A_223 = arith.constant 64 : index
        %parallel_loop3A_224 = tpu.vector_load %arg8[%parallel_loop3A_222, %parallel_loop3A_223] {strides = array<i32>} : memref<32x128xf32, #tpu.memory_space<vmem>>, vector<16xf32>,
        tpu.vector_store %arg8[%parallel_loop3A_222, %parallel_loop3A_223], %parallel_loop3A_221 {strides = array<i32>} : memref<32x128xf32, #tpu.memory_space<vmem>>, vector<16xf32>,
        %parallel_loop3A_225 = arith.constant 80 : i32
        %parallel_loop3A_226 = arith.addi %parallel_loop3A_184, %parallel_loop3A_225 : i32
        %parallel_loop3A_227 = arith.index_cast %parallel_loop3A_226 : i32 to index
        %parallel_loop3A_228 = tpu.vector_load %arg6[%parallel_loop3A_227] {strides = array<i32>} : memref<16384xi32, #tpu.memory_space<vmem>>, vector<16xi32>,
        %parallel_loop3A_229 = tpu.vector_load_idx %arg5[%parallel_loop3A_228] : memref<100000xf32, #tpu.memory_space<vmem>>[vector<16xi32>], vector<16xf32>,
        %parallel_loop3A_230 = arith.index_cast %parallel_loop3A_180 : i32 to index
        %parallel_loop3A_231 = arith.constant 80 : index
        %parallel_loop3A_232 = tpu.vector_load %arg8[%parallel_loop3A_230, %parallel_loop3A_231] {strides = array<i32>} : memref<32x128xf32, #tpu.memory_space<vmem>>, vector<16xf32>,
        tpu.vector_store %arg8[%parallel_loop3A_230, %parallel_loop3A_231], %parallel_loop3A_229 {strides = array<i32>} : memref<32x128xf32, #tpu.memory_space<vmem>>, vector<16xf32>,
        %parallel_loop3A_233 = arith.constant 96 : i32
        %parallel_loop3A_234 = arith.addi %parallel_loop3A_184, %parallel_loop3A_233 : i32
        %parallel_loop3A_235 = arith.index_cast %parallel_loop3A_234 : i32 to index
        %parallel_loop3A_236 = tpu.vector_load %arg6[%parallel_loop3A_235] {strides = array<i32>} : memref<16384xi32, #tpu.memory_space<vmem>>, vector<16xi32>,
        %parallel_loop3A_237 = tpu.vector_load_idx %arg5[%parallel_loop3A_236] : memref<100000xf32, #tpu.memory_space<vmem>>[vector<16xi32>], vector<16xf32>,
        %parallel_loop3A_238 = arith.index_cast %parallel_loop3A_180 : i32 to index
        %parallel_loop3A_239 = arith.constant 96 : index
        %parallel_loop3A_240 = tpu.vector_load %arg8[%parallel_loop3A_238, %parallel_loop3A_239] {strides = array<i32>} : memref<32x128xf32, #tpu.memory_space<vmem>>, vector<16xf32>,
        tpu.vector_store %arg8[%parallel_loop3A_238, %parallel_loop3A_239], %parallel_loop3A_237 {strides = array<i32>} : memref<32x128xf32, #tpu.memory_space<vmem>>, vector<16xf32>,
        %parallel_loop3A_241 = arith.constant 112 : i32
        %parallel_loop3A_242 = arith.addi %parallel_loop3A_184, %parallel_loop3A_241 : i32
        %parallel_loop3A_243 = arith.index_cast %parallel_loop3A_242 : i32 to index
        %parallel_loop3A_244 = tpu.vector_load %arg6[%parallel_loop3A_243] {strides = array<i32>} : memref<16384xi32, #tpu.memory_space<vmem>>, vector<16xi32>,
        %parallel_loop3A_245 = tpu.vector_load_idx %arg5[%parallel_loop3A_244] : memref<100000xf32, #tpu.memory_space<vmem>>[vector<16xi32>], vector<16xf32>,
        %parallel_loop3A_246 = arith.index_cast %parallel_loop3A_180 : i32 to index
        %parallel_loop3A_247 = arith.constant 112 : index
        %parallel_loop3A_248 = tpu.vector_load %arg8[%parallel_loop3A_246, %parallel_loop3A_247] {strides = array<i32>} : memref<32x128xf32, #tpu.memory_space<vmem>>, vector<16xf32>,
        tpu.vector_store %arg8[%parallel_loop3A_246, %parallel_loop3A_247], %parallel_loop3A_245 {strides = array<i32>} : memref<32x128xf32, #tpu.memory_space<vmem>>, vector<16xf32>,
      } {sc.loop_unroll_factor = 8 : i64, sc.parallel_access}
      %dma_start3A_111 = arith.constant 32 : i32
      %dma_start3A_112 = arith.constant 0 : i32
      %dma_start3A_113 = tpu.memref_slice %arg4[%select_n3A_62, %select_n3A_89, %dma_start3A_111, %sub3A_92, %dma_start3A_112] : memref<26x8x128x8x128xf32, #tpu.memory_space<hbm>> -> memref<1x1x32x1x128xf32, #tpu.memory_space<hbm>>
      %dma_start3A_114 = tpu.memref_squeeze %dma_start3A_113 : memref<1x1x32x1x128xf32, #tpu.memory_space<hbm>> -> memref<32x128xf32, #tpu.memory_space<hbm>>
      %dma_start3A_115 = arith.constant 32 : i32
      %dma_start3A_116 = arith.constant 0 : i32
      %dma_start3A_117 = tpu.memref_slice %arg4[%select_n3A_62, %select_n3A_89, %dma_start3A_115, %sub3A_92, %dma_start3A_116] : memref<26x8x128x8x128xf32, #tpu.memory_space<hbm>> -> memref<1x1x32x1x128xf32, #tpu.memory_space<hbm>>
      %dma_start3A_118 = tpu.memref_squeeze %dma_start3A_117 : memref<1x1x32x1x128xf32, #tpu.memory_space<hbm>> -> memref<32x128xf32, #tpu.memory_space<hbm>>
      tpu.enqueue_dma source(%arg8 : memref<32x128xf32, #tpu.memory_space<vmem>>) target(%dma_start3A_118 : memref<32x128xf32, #tpu.memory_space<hbm>>) target_semaphore(%arg12 : memref<!tpu.dma_semaphore, #tpu.memory_space<semaphore_mem>>)
      %dma_wait3A_119 = arith.constant 0 : i32
      %dma_wait3A_120 = arith.constant 0 : i32
      %dma_wait3A_121 = tpu.memref_slice %arg4[%select_n3A_62, %select_n3A_89, %dma_wait3A_119, %sub3A_92, %dma_wait3A_120] : memref<26x8x128x8x128xf32, #tpu.memory_space<hbm>> -> memref<1x1x32x1x128xf32, #tpu.memory_space<hbm>>
      %dma_wait3A_122 = tpu.memref_squeeze %dma_wait3A_121 : memref<1x1x32x1x128xf32, #tpu.memory_space<hbm>> -> memref<32x128xf32, #tpu.memory_space<hbm>>
      %dma_wait3A_123 = arith.constant 0 : i32
      %dma_wait3A_124 = arith.constant 0 : i32
      %dma_wait3A_125 = tpu.memref_slice %arg4[%select_n3A_62, %select_n3A_89, %dma_wait3A_123, %sub3A_92, %dma_wait3A_124] : memref<26x8x128x8x128xf32, #tpu.memory_space<hbm>> -> memref<1x1x32x1x128xf32, #tpu.memory_space<hbm>>
      %dma_wait3A_126 = tpu.memref_squeeze %dma_wait3A_125 : memref<1x1x32x1x128xf32, #tpu.memory_space<hbm>> -> memref<32x128xf32, #tpu.memory_space<hbm>>
      tpu.wait_dma2 semaphore(%arg11 : memref<!tpu.dma_semaphore, #tpu.memory_space<semaphore_mem>>) src(%arg7 : memref<32x128xf32, #tpu.memory_space<vmem>>) dst(%dma_wait3A_126 : memref<32x128xf32, #tpu.memory_space<hbm>>)
      %parallel_loop3A_127 = arith.constant 0 : i32
      %parallel_loop3A_128 = arith.constant 32 : i32
      %parallel_loop3A_129 = arith.constant 1 : i32
      scf.for %parallel_loop3A_180 = %parallel_loop3A_127 to %parallel_loop3A_128 step %parallel_loop3A_129  : i32 {
        %parallel_loop3A_181 = arith.constant 128 : i32
        %parallel_loop3A_182 = arith.muli %parallel_loop3A_180, %parallel_loop3A_181 : i32
        %parallel_loop3A_183 = arith.constant 8192 : i32
        %parallel_loop3A_184 = arith.addi %parallel_loop3A_183, %parallel_loop3A_182 : i32
        %parallel_loop3A_185 = arith.constant 0 : i32
        %parallel_loop3A_186 = arith.addi %parallel_loop3A_184, %parallel_loop3A_185 : i32
        %parallel_loop3A_187 = arith.index_cast %parallel_loop3A_186 : i32 to index
        %parallel_loop3A_188 = tpu.vector_load %arg6[%parallel_loop3A_187] {strides = array<i32>} : memref<16384xi32, #tpu.memory_space<vmem>>, vector<16xi32>,
        %parallel_loop3A_189 = tpu.vector_load_idx %arg5[%parallel_loop3A_188] : memref<100000xf32, #tpu.memory_space<vmem>>[vector<16xi32>], vector<16xf32>,
        %parallel_loop3A_190 = arith.index_cast %parallel_loop3A_180 : i32 to index
        %parallel_loop3A_191 = arith.constant 0 : index
        %parallel_loop3A_192 = tpu.vector_load %arg7[%parallel_loop3A_190, %parallel_loop3A_191] {strides = array<i32>} : memref<32x128xf32, #tpu.memory_space<vmem>>, vector<16xf32>,
        tpu.vector_store %arg7[%parallel_loop3A_190, %parallel_loop3A_191], %parallel_loop3A_189 {strides = array<i32>} : memref<32x128xf32, #tpu.memory_space<vmem>>, vector<16xf32>,
        %parallel_loop3A_193 = arith.constant 16 : i32
        %parallel_loop3A_194 = arith.addi %parallel_loop3A_184, %parallel_loop3A_193 : i32
        %parallel_loop3A_195 = arith.index_cast %parallel_loop3A_194 : i32 to index
        %parallel_loop3A_196 = tpu.vector_load %arg6[%parallel_loop3A_195] {strides = array<i32>} : memref<16384xi32, #tpu.memory_space<vmem>>, vector<16xi32>,
        %parallel_loop3A_197 = tpu.vector_load_idx %arg5[%parallel_loop3A_196] : memref<100000xf32, #tpu.memory_space<vmem>>[vector<16xi32>], vector<16xf32>,
        %parallel_loop3A_198 = arith.index_cast %parallel_loop3A_180 : i32 to index
        %parallel_loop3A_199 = arith.constant 16 : index
        %parallel_loop3A_200 = tpu.vector_load %arg7[%parallel_loop3A_198, %parallel_loop3A_199] {strides = array<i32>} : memref<32x128xf32, #tpu.memory_space<vmem>>, vector<16xf32>,
        tpu.vector_store %arg7[%parallel_loop3A_198, %parallel_loop3A_199], %parallel_loop3A_197 {strides = array<i32>} : memref<32x128xf32, #tpu.memory_space<vmem>>, vector<16xf32>,
        %parallel_loop3A_201 = arith.constant 32 : i32
        %parallel_loop3A_202 = arith.addi %parallel_loop3A_184, %parallel_loop3A_201 : i32
        %parallel_loop3A_203 = arith.index_cast %parallel_loop3A_202 : i32 to index
        %parallel_loop3A_204 = tpu.vector_load %arg6[%parallel_loop3A_203] {strides = array<i32>} : memref<16384xi32, #tpu.memory_space<vmem>>, vector<16xi32>,
        %parallel_loop3A_205 = tpu.vector_load_idx %arg5[%parallel_loop3A_204] : memref<100000xf32, #tpu.memory_space<vmem>>[vector<16xi32>], vector<16xf32>,
        %parallel_loop3A_206 = arith.index_cast %parallel_loop3A_180 : i32 to index
        %parallel_loop3A_207 = arith.constant 32 : index
        %parallel_loop3A_208 = tpu.vector_load %arg7[%parallel_loop3A_206, %parallel_loop3A_207] {strides = array<i32>} : memref<32x128xf32, #tpu.memory_space<vmem>>, vector<16xf32>,
        tpu.vector_store %arg7[%parallel_loop3A_206, %parallel_loop3A_207], %parallel_loop3A_205 {strides = array<i32>} : memref<32x128xf32, #tpu.memory_space<vmem>>, vector<16xf32>,
        %parallel_loop3A_209 = arith.constant 48 : i32
        %parallel_loop3A_210 = arith.addi %parallel_loop3A_184, %parallel_loop3A_209 : i32
        %parallel_loop3A_211 = arith.index_cast %parallel_loop3A_210 : i32 to index
        %parallel_loop3A_212 = tpu.vector_load %arg6[%parallel_loop3A_211] {strides = array<i32>} : memref<16384xi32, #tpu.memory_space<vmem>>, vector<16xi32>,
        %parallel_loop3A_213 = tpu.vector_load_idx %arg5[%parallel_loop3A_212] : memref<100000xf32, #tpu.memory_space<vmem>>[vector<16xi32>], vector<16xf32>,
        %parallel_loop3A_214 = arith.index_cast %parallel_loop3A_180 : i32 to index
        %parallel_loop3A_215 = arith.constant 48 : index
        %parallel_loop3A_216 = tpu.vector_load %arg7[%parallel_loop3A_214, %parallel_loop3A_215] {strides = array<i32>} : memref<32x128xf32, #tpu.memory_space<vmem>>, vector<16xf32>,
        tpu.vector_store %arg7[%parallel_loop3A_214, %parallel_loop3A_215], %parallel_loop3A_213 {strides = array<i32>} : memref<32x128xf32, #tpu.memory_space<vmem>>, vector<16xf32>,
        %parallel_loop3A_217 = arith.constant 64 : i32
        %parallel_loop3A_218 = arith.addi %parallel_loop3A_184, %parallel_loop3A_217 : i32
        %parallel_loop3A_219 = arith.index_cast %parallel_loop3A_218 : i32 to index
        %parallel_loop3A_220 = tpu.vector_load %arg6[%parallel_loop3A_219] {strides = array<i32>} : memref<16384xi32, #tpu.memory_space<vmem>>, vector<16xi32>,
        %parallel_loop3A_221 = tpu.vector_load_idx %arg5[%parallel_loop3A_220] : memref<100000xf32, #tpu.memory_space<vmem>>[vector<16xi32>], vector<16xf32>,
        %parallel_loop3A_222 = arith.index_cast %parallel_loop3A_180 : i32 to index
        %parallel_loop3A_223 = arith.constant 64 : index
        %parallel_loop3A_224 = tpu.vector_load %arg7[%parallel_loop3A_222, %parallel_loop3A_223] {strides = array<i32>} : memref<32x128xf32, #tpu.memory_space<vmem>>, vector<16xf32>,
        tpu.vector_store %arg7[%parallel_loop3A_222, %parallel_loop3A_223], %parallel_loop3A_221 {strides = array<i32>} : memref<32x128xf32, #tpu.memory_space<vmem>>, vector<16xf32>,
        %parallel_loop3A_225 = arith.constant 80 : i32
        %parallel_loop3A_226 = arith.addi %parallel_loop3A_184, %parallel_loop3A_225 : i32
        %parallel_loop3A_227 = arith.index_cast %parallel_loop3A_226 : i32 to index
        %parallel_loop3A_228 = tpu.vector_load %arg6[%parallel_loop3A_227] {strides = array<i32>} : memref<16384xi32, #tpu.memory_space<vmem>>, vector<16xi32>,
        %parallel_loop3A_229 = tpu.vector_load_idx %arg5[%parallel_loop3A_228] : memref<100000xf32, #tpu.memory_space<vmem>>[vector<16xi32>], vector<16xf32>,
        %parallel_loop3A_230 = arith.index_cast %parallel_loop3A_180 : i32 to index
        %parallel_loop3A_231 = arith.constant 80 : index
        %parallel_loop3A_232 = tpu.vector_load %arg7[%parallel_loop3A_230, %parallel_loop3A_231] {strides = array<i32>} : memref<32x128xf32, #tpu.memory_space<vmem>>, vector<16xf32>,
        tpu.vector_store %arg7[%parallel_loop3A_230, %parallel_loop3A_231], %parallel_loop3A_229 {strides = array<i32>} : memref<32x128xf32, #tpu.memory_space<vmem>>, vector<16xf32>,
        %parallel_loop3A_233 = arith.constant 96 : i32
        %parallel_loop3A_234 = arith.addi %parallel_loop3A_184, %parallel_loop3A_233 : i32
        %parallel_loop3A_235 = arith.index_cast %parallel_loop3A_234 : i32 to index
        %parallel_loop3A_236 = tpu.vector_load %arg6[%parallel_loop3A_235] {strides = array<i32>} : memref<16384xi32, #tpu.memory_space<vmem>>, vector<16xi32>,
        %parallel_loop3A_237 = tpu.vector_load_idx %arg5[%parallel_loop3A_236] : memref<100000xf32, #tpu.memory_space<vmem>>[vector<16xi32>], vector<16xf32>,
        %parallel_loop3A_238 = arith.index_cast %parallel_loop3A_180 : i32 to index
        %parallel_loop3A_239 = arith.constant 96 : index
        %parallel_loop3A_240 = tpu.vector_load %arg7[%parallel_loop3A_238, %parallel_loop3A_239] {strides = array<i32>} : memref<32x128xf32, #tpu.memory_space<vmem>>, vector<16xf32>,
        tpu.vector_store %arg7[%parallel_loop3A_238, %parallel_loop3A_239], %parallel_loop3A_237 {strides = array<i32>} : memref<32x128xf32, #tpu.memory_space<vmem>>, vector<16xf32>,
        %parallel_loop3A_241 = arith.constant 112 : i32
        %parallel_loop3A_242 = arith.addi %parallel_loop3A_184, %parallel_loop3A_241 : i32
        %parallel_loop3A_243 = arith.index_cast %parallel_loop3A_242 : i32 to index
        %parallel_loop3A_244 = tpu.vector_load %arg6[%parallel_loop3A_243] {strides = array<i32>} : memref<16384xi32, #tpu.memory_space<vmem>>, vector<16xi32>,
        %parallel_loop3A_245 = tpu.vector_load_idx %arg5[%parallel_loop3A_244] : memref<100000xf32, #tpu.memory_space<vmem>>[vector<16xi32>], vector<16xf32>,
        %parallel_loop3A_246 = arith.index_cast %parallel_loop3A_180 : i32 to index
        %parallel_loop3A_247 = arith.constant 112 : index
        %parallel_loop3A_248 = tpu.vector_load %arg7[%parallel_loop3A_246, %parallel_loop3A_247] {strides = array<i32>} : memref<32x128xf32, #tpu.memory_space<vmem>>, vector<16xf32>,
        tpu.vector_store %arg7[%parallel_loop3A_246, %parallel_loop3A_247], %parallel_loop3A_245 {strides = array<i32>} : memref<32x128xf32, #tpu.memory_space<vmem>>, vector<16xf32>,
      } {sc.loop_unroll_factor = 8 : i64, sc.parallel_access}
      %dma_start3A_130 = arith.constant 64 : i32
      %dma_start3A_131 = arith.constant 0 : i32
      %dma_start3A_132 = tpu.memref_slice %arg4[%select_n3A_62, %select_n3A_89, %dma_start3A_130, %sub3A_92, %dma_start3A_131] : memref<26x8x128x8x128xf32, #tpu.memory_space<hbm>> -> memref<1x1x32x1x128xf32, #tpu.memory_space<hbm>>
      %dma_start3A_133 = tpu.memref_squeeze %dma_start3A_132 : memref<1x1x32x1x128xf32, #tpu.memory_space<hbm>> -> memref<32x128xf32, #tpu.memory_space<hbm>>
      %dma_start3A_134 = arith.constant 64 : i32
      %dma_start3A_135 = arith.constant 0 : i32
      %dma_start3A_136 = tpu.memref_slice %arg4[%select_n3A_62, %select_n3A_89, %dma_start3A_134, %sub3A_92, %dma_start3A_135] : memref<26x8x128x8x128xf32, #tpu.memory_space<hbm>> -> memref<1x1x32x1x128xf32, #tpu.memory_space<hbm>>
      %dma_start3A_137 = tpu.memref_squeeze %dma_start3A_136 : memref<1x1x32x1x128xf32, #tpu.memory_space<hbm>> -> memref<32x128xf32, #tpu.memory_space<hbm>>
      tpu.enqueue_dma source(%arg7 : memref<32x128xf32, #tpu.memory_space<vmem>>) target(%dma_start3A_137 : memref<32x128xf32, #tpu.memory_space<hbm>>) target_semaphore(%arg11 : memref<!tpu.dma_semaphore, #tpu.memory_space<semaphore_mem>>)
      %dma_wait3A_138 = arith.constant 32 : i32
      %dma_wait3A_139 = arith.constant 0 : i32
      %dma_wait3A_140 = tpu.memref_slice %arg4[%select_n3A_62, %select_n3A_89, %dma_wait3A_138, %sub3A_92, %dma_wait3A_139] : memref<26x8x128x8x128xf32, #tpu.memory_space<hbm>> -> memref<1x1x32x1x128xf32, #tpu.memory_space<hbm>>
      %dma_wait3A_141 = tpu.memref_squeeze %dma_wait3A_140 : memref<1x1x32x1x128xf32, #tpu.memory_space<hbm>> -> memref<32x128xf32, #tpu.memory_space<hbm>>
      %dma_wait3A_142 = arith.constant 32 : i32
      %dma_wait3A_143 = arith.constant 0 : i32
      %dma_wait3A_144 = tpu.memref_slice %arg4[%select_n3A_62, %select_n3A_89, %dma_wait3A_142, %sub3A_92, %dma_wait3A_143] : memref<26x8x128x8x128xf32, #tpu.memory_space<hbm>> -> memref<1x1x32x1x128xf32, #tpu.memory_space<hbm>>
      %dma_wait3A_145 = tpu.memref_squeeze %dma_wait3A_144 : memref<1x1x32x1x128xf32, #tpu.memory_space<hbm>> -> memref<32x128xf32, #tpu.memory_space<hbm>>
      tpu.wait_dma2 semaphore(%arg12 : memref<!tpu.dma_semaphore, #tpu.memory_space<semaphore_mem>>) src(%arg8 : memref<32x128xf32, #tpu.memory_space<vmem>>) dst(%dma_wait3A_145 : memref<32x128xf32, #tpu.memory_space<hbm>>)
      %parallel_loop3A_146 = arith.constant 0 : i32
      %parallel_loop3A_147 = arith.constant 32 : i32
      %parallel_loop3A_148 = arith.constant 1 : i32
      scf.for %parallel_loop3A_180 = %parallel_loop3A_146 to %parallel_loop3A_147 step %parallel_loop3A_148  : i32 {
        %parallel_loop3A_181 = arith.constant 128 : i32
        %parallel_loop3A_182 = arith.muli %parallel_loop3A_180, %parallel_loop3A_181 : i32
        %parallel_loop3A_183 = arith.constant 12288 : i32
        %parallel_loop3A_184 = arith.addi %parallel_loop3A_183, %parallel_loop3A_182 : i32
        %parallel_loop3A_185 = arith.constant 0 : i32
        %parallel_loop3A_186 = arith.addi %parallel_loop3A_184, %parallel_loop3A_185 : i32
        %parallel_loop3A_187 = arith.index_cast %parallel_loop3A_186 : i32 to index
        %parallel_loop3A_188 = tpu.vector_load %arg6[%parallel_loop3A_187] {strides = array<i32>} : memref<16384xi32, #tpu.memory_space<vmem>>, vector<16xi32>,
        %parallel_loop3A_189 = tpu.vector_load_idx %arg5[%parallel_loop3A_188] : memref<100000xf32, #tpu.memory_space<vmem>>[vector<16xi32>], vector<16xf32>,
        %parallel_loop3A_190 = arith.index_cast %parallel_loop3A_180 : i32 to index
        %parallel_loop3A_191 = arith.constant 0 : index
        %parallel_loop3A_192 = tpu.vector_load %arg8[%parallel_loop3A_190, %parallel_loop3A_191] {strides = array<i32>} : memref<32x128xf32, #tpu.memory_space<vmem>>, vector<16xf32>,
        tpu.vector_store %arg8[%parallel_loop3A_190, %parallel_loop3A_191], %parallel_loop3A_189 {strides = array<i32>} : memref<32x128xf32, #tpu.memory_space<vmem>>, vector<16xf32>,
        %parallel_loop3A_193 = arith.constant 16 : i32
        %parallel_loop3A_194 = arith.addi %parallel_loop3A_184, %parallel_loop3A_193 : i32
        %parallel_loop3A_195 = arith.index_cast %parallel_loop3A_194 : i32 to index
        %parallel_loop3A_196 = tpu.vector_load %arg6[%parallel_loop3A_195] {strides = array<i32>} : memref<16384xi32, #tpu.memory_space<vmem>>, vector<16xi32>,
        %parallel_loop3A_197 = tpu.vector_load_idx %arg5[%parallel_loop3A_196] : memref<100000xf32, #tpu.memory_space<vmem>>[vector<16xi32>], vector<16xf32>,
        %parallel_loop3A_198 = arith.index_cast %parallel_loop3A_180 : i32 to index
        %parallel_loop3A_199 = arith.constant 16 : index
        %parallel_loop3A_200 = tpu.vector_load %arg8[%parallel_loop3A_198, %parallel_loop3A_199] {strides = array<i32>} : memref<32x128xf32, #tpu.memory_space<vmem>>, vector<16xf32>,
        tpu.vector_store %arg8[%parallel_loop3A_198, %parallel_loop3A_199], %parallel_loop3A_197 {strides = array<i32>} : memref<32x128xf32, #tpu.memory_space<vmem>>, vector<16xf32>,
        %parallel_loop3A_201 = arith.constant 32 : i32
        %parallel_loop3A_202 = arith.addi %parallel_loop3A_184, %parallel_loop3A_201 : i32
        %parallel_loop3A_203 = arith.index_cast %parallel_loop3A_202 : i32 to index
        %parallel_loop3A_204 = tpu.vector_load %arg6[%parallel_loop3A_203] {strides = array<i32>} : memref<16384xi32, #tpu.memory_space<vmem>>, vector<16xi32>,
        %parallel_loop3A_205 = tpu.vector_load_idx %arg5[%parallel_loop3A_204] : memref<100000xf32, #tpu.memory_space<vmem>>[vector<16xi32>], vector<16xf32>,
        %parallel_loop3A_206 = arith.index_cast %parallel_loop3A_180 : i32 to index
        %parallel_loop3A_207 = arith.constant 32 : index
        %parallel_loop3A_208 = tpu.vector_load %arg8[%parallel_loop3A_206, %parallel_loop3A_207] {strides = array<i32>} : memref<32x128xf32, #tpu.memory_space<vmem>>, vector<16xf32>,
        tpu.vector_store %arg8[%parallel_loop3A_206, %parallel_loop3A_207], %parallel_loop3A_205 {strides = array<i32>} : memref<32x128xf32, #tpu.memory_space<vmem>>, vector<16xf32>,
        %parallel_loop3A_209 = arith.constant 48 : i32
        %parallel_loop3A_210 = arith.addi %parallel_loop3A_184, %parallel_loop3A_209 : i32
        %parallel_loop3A_211 = arith.index_cast %parallel_loop3A_210 : i32 to index
        %parallel_loop3A_212 = tpu.vector_load %arg6[%parallel_loop3A_211] {strides = array<i32>} : memref<16384xi32, #tpu.memory_space<vmem>>, vector<16xi32>,
        %parallel_loop3A_213 = tpu.vector_load_idx %arg5[%parallel_loop3A_212] : memref<100000xf32, #tpu.memory_space<vmem>>[vector<16xi32>], vector<16xf32>,
        %parallel_loop3A_214 = arith.index_cast %parallel_loop3A_180 : i32 to index
        %parallel_loop3A_215 = arith.constant 48 : index
        %parallel_loop3A_216 = tpu.vector_load %arg8[%parallel_loop3A_214, %parallel_loop3A_215] {strides = array<i32>} : memref<32x128xf32, #tpu.memory_space<vmem>>, vector<16xf32>,
        tpu.vector_store %arg8[%parallel_loop3A_214, %parallel_loop3A_215], %parallel_loop3A_213 {strides = array<i32>} : memref<32x128xf32, #tpu.memory_space<vmem>>, vector<16xf32>,
        %parallel_loop3A_217 = arith.constant 64 : i32
        %parallel_loop3A_218 = arith.addi %parallel_loop3A_184, %parallel_loop3A_217 : i32
        %parallel_loop3A_219 = arith.index_cast %parallel_loop3A_218 : i32 to index
        %parallel_loop3A_220 = tpu.vector_load %arg6[%parallel_loop3A_219] {strides = array<i32>} : memref<16384xi32, #tpu.memory_space<vmem>>, vector<16xi32>,
        %parallel_loop3A_221 = tpu.vector_load_idx %arg5[%parallel_loop3A_220] : memref<100000xf32, #tpu.memory_space<vmem>>[vector<16xi32>], vector<16xf32>,
        %parallel_loop3A_222 = arith.index_cast %parallel_loop3A_180 : i32 to index
        %parallel_loop3A_223 = arith.constant 64 : index
        %parallel_loop3A_224 = tpu.vector_load %arg8[%parallel_loop3A_222, %parallel_loop3A_223] {strides = array<i32>} : memref<32x128xf32, #tpu.memory_space<vmem>>, vector<16xf32>,
        tpu.vector_store %arg8[%parallel_loop3A_222, %parallel_loop3A_223], %parallel_loop3A_221 {strides = array<i32>} : memref<32x128xf32, #tpu.memory_space<vmem>>, vector<16xf32>,
        %parallel_loop3A_225 = arith.constant 80 : i32
        %parallel_loop3A_226 = arith.addi %parallel_loop3A_184, %parallel_loop3A_225 : i32
        %parallel_loop3A_227 = arith.index_cast %parallel_loop3A_226 : i32 to index
        %parallel_loop3A_228 = tpu.vector_load %arg6[%parallel_loop3A_227] {strides = array<i32>} : memref<16384xi32, #tpu.memory_space<vmem>>, vector<16xi32>,
        %parallel_loop3A_229 = tpu.vector_load_idx %arg5[%parallel_loop3A_228] : memref<100000xf32, #tpu.memory_space<vmem>>[vector<16xi32>], vector<16xf32>,
        %parallel_loop3A_230 = arith.index_cast %parallel_loop3A_180 : i32 to index
        %parallel_loop3A_231 = arith.constant 80 : index
        %parallel_loop3A_232 = tpu.vector_load %arg8[%parallel_loop3A_230, %parallel_loop3A_231] {strides = array<i32>} : memref<32x128xf32, #tpu.memory_space<vmem>>, vector<16xf32>,
        tpu.vector_store %arg8[%parallel_loop3A_230, %parallel_loop3A_231], %parallel_loop3A_229 {strides = array<i32>} : memref<32x128xf32, #tpu.memory_space<vmem>>, vector<16xf32>,
        %parallel_loop3A_233 = arith.constant 96 : i32
        %parallel_loop3A_234 = arith.addi %parallel_loop3A_184, %parallel_loop3A_233 : i32
        %parallel_loop3A_235 = arith.index_cast %parallel_loop3A_234 : i32 to index
        %parallel_loop3A_236 = tpu.vector_load %arg6[%parallel_loop3A_235] {strides = array<i32>} : memref<16384xi32, #tpu.memory_space<vmem>>, vector<16xi32>,
        %parallel_loop3A_237 = tpu.vector_load_idx %arg5[%parallel_loop3A_236] : memref<100000xf32, #tpu.memory_space<vmem>>[vector<16xi32>], vector<16xf32>,
        %parallel_loop3A_238 = arith.index_cast %parallel_loop3A_180 : i32 to index
        %parallel_loop3A_239 = arith.constant 96 : index
        %parallel_loop3A_240 = tpu.vector_load %arg8[%parallel_loop3A_238, %parallel_loop3A_239] {strides = array<i32>} : memref<32x128xf32, #tpu.memory_space<vmem>>, vector<16xf32>,
        tpu.vector_store %arg8[%parallel_loop3A_238, %parallel_loop3A_239], %parallel_loop3A_237 {strides = array<i32>} : memref<32x128xf32, #tpu.memory_space<vmem>>, vector<16xf32>,
        %parallel_loop3A_241 = arith.constant 112 : i32
        %parallel_loop3A_242 = arith.addi %parallel_loop3A_184, %parallel_loop3A_241 : i32
        %parallel_loop3A_243 = arith.index_cast %parallel_loop3A_242 : i32 to index
        %parallel_loop3A_244 = tpu.vector_load %arg6[%parallel_loop3A_243] {strides = array<i32>} : memref<16384xi32, #tpu.memory_space<vmem>>, vector<16xi32>,
        %parallel_loop3A_245 = tpu.vector_load_idx %arg5[%parallel_loop3A_244] : memref<100000xf32, #tpu.memory_space<vmem>>[vector<16xi32>], vector<16xf32>,
        %parallel_loop3A_246 = arith.index_cast %parallel_loop3A_180 : i32 to index
        %parallel_loop3A_247 = arith.constant 112 : index
        %parallel_loop3A_248 = tpu.vector_load %arg8[%parallel_loop3A_246, %parallel_loop3A_247] {strides = array<i32>} : memref<32x128xf32, #tpu.memory_space<vmem>>, vector<16xf32>,
        tpu.vector_store %arg8[%parallel_loop3A_246, %parallel_loop3A_247], %parallel_loop3A_245 {strides = array<i32>} : memref<32x128xf32, #tpu.memory_space<vmem>>, vector<16xf32>,
      } {sc.loop_unroll_factor = 8 : i64, sc.parallel_access}
      %dma_start3A_149 = arith.constant 96 : i32
      %dma_start3A_150 = arith.constant 0 : i32
      %dma_start3A_151 = tpu.memref_slice %arg4[%select_n3A_62, %select_n3A_89, %dma_start3A_149, %sub3A_92, %dma_start3A_150] : memref<26x8x128x8x128xf32, #tpu.memory_space<hbm>> -> memref<1x1x32x1x128xf32, #tpu.memory_space<hbm>>
      %dma_start3A_152 = tpu.memref_squeeze %dma_start3A_151 : memref<1x1x32x1x128xf32, #tpu.memory_space<hbm>> -> memref<32x128xf32, #tpu.memory_space<hbm>>
      %dma_start3A_153 = arith.constant 96 : i32
      %dma_start3A_154 = arith.constant 0 : i32
      %dma_start3A_155 = tpu.memref_slice %arg4[%select_n3A_62, %select_n3A_89, %dma_start3A_153, %sub3A_92, %dma_start3A_154] : memref<26x8x128x8x128xf32, #tpu.memory_space<hbm>> -> memref<1x1x32x1x128xf32, #tpu.memory_space<hbm>>
      %dma_start3A_156 = tpu.memref_squeeze %dma_start3A_155 : memref<1x1x32x1x128xf32, #tpu.memory_space<hbm>> -> memref<32x128xf32, #tpu.memory_space<hbm>>
      tpu.enqueue_dma source(%arg8 : memref<32x128xf32, #tpu.memory_space<vmem>>) target(%dma_start3A_156 : memref<32x128xf32, #tpu.memory_space<hbm>>) target_semaphore(%arg12 : memref<!tpu.dma_semaphore, #tpu.memory_space<semaphore_mem>>)
      %add3A_157 = arith.constant 1 : i32
      %add3A_158 = arith.addi %scan3A_36, %add3A_157 : i32
      %lt3A = arith.constant 52 : i32
      %lt3A_159 = arith.cmpi slt, %add3A_158, %lt3A : i32
      %convert_element_type3A_160 = arith.extui %lt3A_159 : i1 to i32
      %cond3A_161 = arith.constant 0 : i32
      %cond3A_162 = arith.cmpi ne, %convert_element_type3A_160, %cond3A_161 : i32
      scf.if %cond3A_162 {
        %add3A_180 = arith.constant 1 : i32
        %add3A_181 = arith.addi %add3A_38, %add3A_180 : i32
        %jit3A_182 = arith.constant 64 : i32
        %div3A_183 = arith.divsi %add3A_181, %jit3A_182 : i32
        %sign3A_184 = arith.constant 0 : i32
        %sign3A_185 = arith.cmpi sgt, %add3A_181, %sign3A_184 : i32
        %sign3A_186 = arith.extui %sign3A_185 : i1 to i32
        %sign3A_187 = arith.constant 0 : i32
        %sign3A_188 = arith.cmpi slt, %add3A_181, %sign3A_187 : i32
        %sign3A_189 = arith.extui %sign3A_188 : i1 to i32
        %sign3A_190 = arith.subi %sign3A_186, %sign3A_189 : i32
        %sign3A_191 = arith.constant 0 : i32
        %sign3A_192 = arith.cmpi sgt, %jit3A_182, %sign3A_191 : i32
        %sign3A_193 = arith.extui %sign3A_192 : i1 to i32
        %sign3A_194 = arith.constant 0 : i32
        %sign3A_195 = arith.cmpi slt, %jit3A_182, %sign3A_194 : i32
        %sign3A_196 = arith.extui %sign3A_195 : i1 to i32
        %sign3A_197 = arith.subi %sign3A_193, %sign3A_196 : i32
        %ne3A_198 = arith.cmpi ne, %sign3A_190, %sign3A_197 : i32
        %rem3A_199 = arith.remsi %add3A_181, %jit3A_182 : i32
        %ne3A_200 = arith.constant 0 : i32
        %ne3A_201 = arith.cmpi ne, %rem3A_199, %ne3A_200 : i32
        %and3A_202 = arith.andi %ne3A_198, %ne3A_201 : i1
        %sub3A_203 = arith.constant 1 : i32
        %sub3A_204 = arith.subi %div3A_183, %sub3A_203 : i32
        %select_n3A_205 = arith.select %and3A_202, %sub3A_204, %div3A_183 : i32
        %mul3A_206 = arith.constant 64 : i32
        %mul3A_207 = arith.muli %select_n3A_205, %mul3A_206 : i32
        %sub3A_208 = arith.subi %add3A_181, %mul3A_207 : i32
        %eq3A_209 = arith.constant 0 : i32
        %eq3A_210 = arith.cmpi eq, %sub3A_208, %eq3A_209 : i32
        %or3A_211 = arith.constant false
        %or3A_212 = arith.ori %eq3A_210, %or3A_211 : i1
        %convert_element_type3A_213 = arith.extui %or3A_212 : i1 to i32
        %cond3A_214 = arith.constant 0 : i32
        %cond3A_215 = arith.cmpi ne, %convert_element_type3A_213, %cond3A_214 : i32
        scf.if %cond3A_215 {
          %dma_start3A_222 = arith.constant 0 : i32
          %dma_start3A_223 = tpu.memref_slice %arg3[%select_n3A_205, %dma_start3A_222] : memref<26x16384xi32, #tpu.memory_space<hbm>> -> memref<1x16384xi32, #tpu.memory_space<hbm>>
          %dma_start3A_224 = tpu.memref_squeeze %dma_start3A_223 : memref<1x16384xi32, #tpu.memory_space<hbm>> -> memref<16384xi32, #tpu.memory_space<hbm>>
          %dma_start3A_225 = arith.constant 0 : i32
          %dma_start3A_226 = tpu.memref_slice %arg3[%select_n3A_205, %dma_start3A_225] : memref<26x16384xi32, #tpu.memory_space<hbm>> -> memref<1x16384xi32, #tpu.memory_space<hbm>>
          %dma_start3A_227 = tpu.memref_squeeze %dma_start3A_226 : memref<1x16384xi32, #tpu.memory_space<hbm>> -> memref<16384xi32, #tpu.memory_space<hbm>>
          tpu.enqueue_dma source(%dma_start3A_227 : memref<16384xi32, #tpu.memory_space<hbm>>) target(%arg6 : memref<16384xi32, #tpu.memory_space<vmem>>) target_semaphore(%arg10 : memref<!tpu.dma_semaphore, #tpu.memory_space<semaphore_mem>>)
          %dma_wait3A_228 = arith.constant 0 : i32
          %dma_wait3A_229 = tpu.memref_slice %arg3[%select_n3A_205, %dma_wait3A_228] : memref<26x16384xi32, #tpu.memory_space<hbm>> -> memref<1x16384xi32, #tpu.memory_space<hbm>>
          %dma_wait3A_230 = tpu.memref_squeeze %dma_wait3A_229 : memref<1x16384xi32, #tpu.memory_space<hbm>> -> memref<16384xi32, #tpu.memory_space<hbm>>
          %dma_wait3A_231 = arith.constant 0 : i32
          %dma_wait3A_232 = tpu.memref_slice %arg3[%select_n3A_205, %dma_wait3A_231] : memref<26x16384xi32, #tpu.memory_space<hbm>> -> memref<1x16384xi32, #tpu.memory_space<hbm>>
          %dma_wait3A_233 = tpu.memref_squeeze %dma_wait3A_232 : memref<1x16384xi32, #tpu.memory_space<hbm>> -> memref<16384xi32, #tpu.memory_space<hbm>>
          tpu.wait_dma2 semaphore(%arg10 : memref<!tpu.dma_semaphore, #tpu.memory_space<semaphore_mem>>) src(%dma_wait3A_233 : memref<16384xi32, #tpu.memory_space<hbm>>) dst(%arg6 : memref<16384xi32, #tpu.memory_space<vmem>>)
        } else {
        }
        %dma_start3A_216 = arith.constant 0 : i32
        %dma_start3A_217 = tpu.memref_slice %arg2[%select_n3A_205, %sub3A_208, %dma_start3A_216] : memref<26x64x100000xf32, #tpu.memory_space<hbm>> -> memref<1x1x100000xf32, #tpu.memory_space<hbm>>
        %dma_start3A_218 = tpu.memref_squeeze %dma_start3A_217 : memref<1x1x100000xf32, #tpu.memory_space<hbm>> -> memref<100000xf32, #tpu.memory_space<hbm>>
        %dma_start3A_219 = arith.constant 0 : i32
        %dma_start3A_220 = tpu.memref_slice %arg2[%select_n3A_205, %sub3A_208, %dma_start3A_219] : memref<26x64x100000xf32, #tpu.memory_space<hbm>> -> memref<1x1x100000xf32, #tpu.memory_space<hbm>>
        %dma_start3A_221 = tpu.memref_squeeze %dma_start3A_220 : memref<1x1x100000xf32, #tpu.memory_space<hbm>> -> memref<100000xf32, #tpu.memory_space<hbm>>
        tpu.enqueue_dma source(%dma_start3A_221 : memref<100000xf32, #tpu.memory_space<hbm>>) target(%arg5 : memref<100000xf32, #tpu.memory_space<vmem>>) target_semaphore(%arg9 : memref<!tpu.dma_semaphore, #tpu.memory_space<semaphore_mem>>)
      } else {
      }
      %dma_wait3A_163 = arith.constant 64 : i32
      %dma_wait3A_164 = arith.constant 0 : i32
      %dma_wait3A_165 = tpu.memref_slice %arg4[%select_n3A_62, %select_n3A_89, %dma_wait3A_163, %sub3A_92, %dma_wait3A_164] : memref<26x8x128x8x128xf32, #tpu.memory_space<hbm>> -> memref<1x1x32x1x128xf32, #tpu.memory_space<hbm>>
      %dma_wait3A_166 = tpu.memref_squeeze %dma_wait3A_165 : memref<1x1x32x1x128xf32, #tpu.memory_space<hbm>> -> memref<32x128xf32, #tpu.memory_space<hbm>>
      %dma_wait3A_167 = arith.constant 64 : i32
      %dma_wait3A_168 = arith.constant 0 : i32
      %dma_wait3A_169 = tpu.memref_slice %arg4[%select_n3A_62, %select_n3A_89, %dma_wait3A_167, %sub3A_92, %dma_wait3A_168] : memref<26x8x128x8x128xf32, #tpu.memory_space<hbm>> -> memref<1x1x32x1x128xf32, #tpu.memory_space<hbm>>
      %dma_wait3A_170 = tpu.memref_squeeze %dma_wait3A_169 : memref<1x1x32x1x128xf32, #tpu.memory_space<hbm>> -> memref<32x128xf32, #tpu.memory_space<hbm>>
      tpu.wait_dma2 semaphore(%arg11 : memref<!tpu.dma_semaphore, #tpu.memory_space<semaphore_mem>>) src(%arg7 : memref<32x128xf32, #tpu.memory_space<vmem>>) dst(%dma_wait3A_170 : memref<32x128xf32, #tpu.memory_space<hbm>>)
      %dma_wait3A_171 = arith.constant 96 : i32
      %dma_wait3A_172 = arith.constant 0 : i32
      %dma_wait3A_173 = tpu.memref_slice %arg4[%select_n3A_62, %select_n3A_89, %dma_wait3A_171, %sub3A_92, %dma_wait3A_172] : memref<26x8x128x8x128xf32, #tpu.memory_space<hbm>> -> memref<1x1x32x1x128xf32, #tpu.memory_space<hbm>>
      %dma_wait3A_174 = tpu.memref_squeeze %dma_wait3A_173 : memref<1x1x32x1x128xf32, #tpu.memory_space<hbm>> -> memref<32x128xf32, #tpu.memory_space<hbm>>
      %dma_wait3A_175 = arith.constant 96 : i32
      %dma_wait3A_176 = arith.constant 0 : i32
      %dma_wait3A_177 = tpu.memref_slice %arg4[%select_n3A_62, %select_n3A_89, %dma_wait3A_175, %sub3A_92, %dma_wait3A_176] : memref<26x8x128x8x128xf32, #tpu.memory_space<hbm>> -> memref<1x1x32x1x128xf32, #tpu.memory_space<hbm>>
      %dma_wait3A_178 = tpu.memref_squeeze %dma_wait3A_177 : memref<1x1x32x1x128xf32, #tpu.memory_space<hbm>> -> memref<32x128xf32, #tpu.memory_space<hbm>>
      tpu.wait_dma2 semaphore(%arg12 : memref<!tpu.dma_semaphore, #tpu.memory_space<semaphore_mem>>) src(%arg8 : memref<32x128xf32, #tpu.memory_space<vmem>>) dst(%dma_wait3A_178 : memref<32x128xf32, #tpu.memory_space<hbm>>)
      %scan3A_179 = arith.constant 0 : i32
      scf.yield %scan3A_179 : i32
    }
    %scan3A_35 = arith.constant 52 : i32
    return
  }
}

</mosaic_0001>

<sc_bundles>
// kernel: kernel.3.cloned.1.call-start
scs
__scs_entry_jumppad:
0x0: {  	(pc) =	sbr.rel $0x88, $3  }
0x1: {  	(tag) =	ssettag $0x0;
	lr =	simm.s32 $0x1  }
0x2: {  	[smem:$0x3F9F] =	sst lr;
	_ =	strace $0xD0000000  }
0x3: {  	_ = 	snop  }
0x4: {  	_ = 	snop  }
0x5: {  	_ = 	snop  }
0x6: {  	_ = 	snop  }
0x7: {  	_ = 	snop  }
__scs_overlays_trampoline_lowered:
0x8: {  	[smem:$0x3FAE] =	sst s0  }
0x9: {  	[smem:$0x3FAF] =	sst s1  }
0xa: {  	[smem:$0x3FB0] =	sst s2  }
0xb: {  	[smem:$0x3FB1] =	sst s3  }
0xc: {  	[smem:$0x3FB2] =	sst s4  }
0xd: {  	[smem:$0x3FB3] =	sst s5  }
0xe: {  	[smem:$0x3FB4] =	sst s6  }
0xf: {  	[smem:$0x3FB5] =	sst s7  }
0x10: {  	[smem:$0x3FB6] =	sst s8  }
0x11: {  	[smem:$0x3FB7] =	sst s9;
	s0 =	simm.s32 @!p0 $0x0  }
0x12: {  	s1 =	sld [smem:$0x3F9D];
	s0 =	simm.s32 @p0 $0x1  }
0x13: {  	[smem:$0x3FB8] =	sst s0;
	s0 =	simm.s32 @!p1 $0x0  }
0x14: {  	s2 =	sld [smem:$0x3F9C];
	s0 =	simm.s32 @p1 $0x1  }
0x15: {  	[smem:$0x3FB9] =	sst s0;
	s0 =	simm.s32 @!p2 $0x0  }
0x16: {  	s3 =	sld [smem:$0x3FDB];
	s0 =	simm.s32 @p2 $0x1  }
0x17: {  	s4 =	simm.s32 $0x1BF5;
	[smem:$0x3FBB] =	sst s0  }
0x18: {  	s0 =	sld [smem:$0x3F9E];
	_ =	swait.ge [sflag:s4], $0x0  }
0x19: {  	s7 =	sld [smem:$0x3F9F]  }
0x1a: {  	s8 =	sadd.s32 $0xFFFFE003, lr  }
0x1b: {  	s9 =	sadd.s32 $0xFFFFFEF7, lr;
	s5 =	simm.s32 $0xFFFFFFFF;
	p2 =	slt.u32 s8, $0xFFFFF086  }
0x1c: {  	p1 =	slt.u32 s9, $0xF7A;
	s5 =	simm.s32 @!p2 $0x0  }
0x1d: {  	s5 =	simm.s32 @p1 $0x1;
	p0 =	seq.s32 s7, s2  }
0x1e: {  	s7 =	smul.u32 @!p0 $0xF7A, s2;
	p2 =	seq.s32 @!p0 s5, $0x0  }
0x1f: {  	s9 =	smul.u32 $0xF7A, s1;
	s8 =	simm.s32 @!p0 $0x1BF5;
	p2 =	por !p2, p0  }
0x20: {  	[sflag:s8] =	ssyncset.s32 @!p0 $0xFFFFF086;
	s6 =	sadd.s32 @!p0 s3, s7;
	s7 =	simm.s32 @!p0 $0x108  }
0x21: {  	s3 =	sadd.s32 s3, s9;
	s6 =	sadd.s32 @!p0 $0x88, s6;
	s7 =	simm.s32 @p2 $0x1082  }
0x22: {  	[simem:s7], [sflag:s8] =	dma.local @!p0 [hbm:s6], $0xF7A  }
0x23: {  	s9 =	sor.u32 $0xD0000000, s2;
	s6 =	simm.s32 $0x108;
	_ =	swait.ge @!p0 [sflag:s8], $0x0  }
0x24: {  	s3 =	sadd.s32 $0x88, s3;
	s6 =	simm.s32 @!p1 $0x1082;
	[sflag:s4] =	ssyncset.s32 $0xFFFFF086  }
0x25: {  	[simem:s6], [sflag:s4] =	dma.local [hbm:s3], $0xF7A  }
0x26: {  	[smem:$0x3F9F] =	sst s1;
	(tag) =	ssettag s2;
	_ =	strace s9  }
0x27: {  	s1 =	sld [smem:$0x3FAF]  }
0x28: {  	s2 =	sld [smem:$0x3FB0]  }
0x29: {  	s4 =	sld [smem:$0x3FB2]  }
0x2a: {  	p0 =	seq.s32 s5, $0x0;
	s5 =	sld [smem:$0x3FB3]  }
0x2b: {  	s6 =	sld [smem:$0x3FB4]  }
0x2c: {  	s7 =	sld [smem:$0x3FB5]  }
0x2d: {  	s3 =	simm.s32 $0x108;
	s8 =	sld [smem:$0x3FB6]  }
0x2e: {  	s3 =	simm.s32 @!p0 $0x1082;
	s9 =	sld [smem:$0x3FB7]  }
0x2f: {  	lr =	sadd.s32 s0, s3;
	s0 =	sld [smem:$0x3FAE]  }
0x30: {  	s3 =	sld [smem:$0x3FB1]  }
0x31: {  	[smem:$0x3FBA] =	sst s10  }
0x32: {  	s10 =	sld [smem:$0x3FB8];
	_ =	sdelay $0x3  }
0x33: {  	p0 =	seq.s32 s10, $0x1;
	s10 =	sld [smem:$0x3FBA];
	_ =	sdelay $0x3  }
0x34: {  	[smem:$0x3FBA] =	sst s10  }
0x35: {  	s10 =	sld [smem:$0x3FB9];
	_ =	sdelay $0x3  }
0x36: {  	p1 =	seq.s32 s10, $0x1;
	s10 =	sld [smem:$0x3FBA];
	_ =	sdelay $0x3  }
0x37: {  	[smem:$0x3FBA] =	sst s10  }
0x38: {  	s10 =	sld [smem:$0x3FBB]  }
0x39: {  	_ = 	snop;
	(pc) =	sbr.ind lr, $3  }
0x3a: {  	_ = 	snop  }
0x3b: {  	_ = 	snop  }
0x3c: {  	p2 =	seq.s32 s10, $0x1;
	s10 =	sld [smem:$0x3FBA]  }
0x3d: {  	_ =	shalt  }
0x3e: {  	_ =	shalt  }
0x3f: {  	_ =	shalt  }
0x40: {  	_ =	shalt  }
0x41: {  	_ =	shalt  }
0x42: {  	_ =	shalt  }
0x43: {  	_ =	shalt  }
0x44: {  	_ =	shalt  }
0x45: {  	_ =	shalt  }
0x46: {  	_ =	shalt  }
0x47: {  	_ =	shalt  }
0x48: {  	_ =	shalt  }
0x49: {  	_ =	shalt  }
0x4a: {  	_ =	shalt  }
0x4b: {  	_ =	shalt  }
0x4c: {  	_ =	shalt  }
0x4d: {  	_ =	shalt  }
0x4e: {  	_ =	shalt  }
0x4f: {  	_ =	shalt  }
0x50: {  	_ =	shalt  }
0x51: {  	_ =	shalt  }
0x52: {  	_ =	shalt  }
0x53: {  	_ =	shalt  }
0x54: {  	_ =	shalt  }
0x55: {  	_ =	shalt  }
0x56: {  	_ =	shalt  }
0x57: {  	_ =	shalt  }
0x58: {  	_ =	shalt  }
0x59: {  	_ =	shalt  }
0x5a: {  	_ =	shalt  }
0x5b: {  	_ =	shalt  }
0x5c: {  	_ =	shalt  }
0x5d: {  	_ =	shalt  }
0x5e: {  	_ =	shalt  }
0x5f: {  	_ =	shalt  }
0x60: {  	_ =	shalt  }
0x61: {  	_ =	shalt  }
0x62: {  	_ =	shalt  }
0x63: {  	_ =	shalt  }
0x64: {  	_ =	shalt  }
0x65: {  	_ =	shalt  }
0x66: {  	_ =	shalt  }
0x67: {  	_ =	shalt  }
0x68: {  	_ =	shalt  }
0x69: {  	_ =	shalt  }
0x6a: {  	_ =	shalt  }
0x6b: {  	_ =	shalt  }
0x6c: {  	_ =	shalt  }
0x6d: {  	_ =	shalt  }
0x6e: {  	_ =	shalt  }
0x6f: {  	_ =	shalt  }
0x70: {  	_ =	shalt  }
0x71: {  	_ =	shalt  }
0x72: {  	_ =	shalt  }
0x73: {  	_ =	shalt  }
0x74: {  	_ =	shalt  }
0x75: {  	_ =	shalt  }
0x76: {  	_ =	shalt  }
0x77: {  	_ =	shalt  }
0x78: {  	_ =	shalt  }
0x79: {  	_ =	shalt  }
0x7a: {  	_ =	shalt  }
0x7b: {  	_ =	shalt  }
0x7c: {  	_ =	shalt  }
0x7d: {  	_ =	shalt  }
0x7e: {  	_ =	shalt  }
0x7f: {  	_ =	shalt  }
0x80: {  	_ =	shalt  }
0x81: {  	_ =	shalt  }
0x82: {  	_ =	shalt  }
0x83: {  	_ =	shalt  }
0x84: {  	_ =	shalt  }
0x85: {  	_ =	shalt  }
0x86: {  	_ =	shalt  }
0x87: {  	_ =	shalt  }
.Lfunc_end0:
.L_simem_size_0:
called_computation_lowered:
.L_overlay_start_0:
0x88: {  	s2 =	sld [smem:$0x3FD9]  }
0x89: {  	s3 =	sld [smem:$0x3FFE];
	_ =	sdelay $0x1  }
0x8a: {  	s1 =	srdreg.scid  }
0x8b: {  	s0 =	sand.u32 $0x1, s1  }
0x8c: {  	s18 =	sshll.u32 s0, $0xA;
	s2 =	sadd.s32 s3, s2  }
0x8d: {  	s2 =	sadd.s32 s2, s18  }
0x8e: {  	[smem:$0x3FC6] =	sst s2  }
0x8f: {  	_ = 	snop  }
0x90: {  	s2 =	sld [smem:$0x3FC9]  }
0x91: {  	s19 =	sld [smem:$0x3FC8]  }
0x92: {  	s4 =	sld [smem:$0x3FD0];
	(tm) =	ssettm $0x1  }
0x93: {  	s5 =	sld [smem:$0x3FFB];
	_ =	sdelay $0x3  }
0x94: {  	_ =	strace s5  }
0x95: {  	s5 =	sld [smem:$0x3FFC];
	_ =	sdelay $0x3  }
0x96: {  	_ =	strace s5  }
0x97: {  	s5 =	sld [smem:$0x3FFD];
	_ =	sdelay $0x3  }
0x98: {  	_ =	strace s5  }
0x99: {  	_ =	strace $0x8FFFFFFF  }
0x9a: {  	s20 =	sld [smem:$0x3FDB];
	_ =	sdelay $0x1  }
0x9b: {  	s6 =	simm.s32 $_scs_section_size  }
0x9c: {  	s7 =	simm.s32 $_size__tile_overlayer_lowered;
	s8 =	simm.s32 $_tile_overlayer_lowered  }
0x9d: {  	s23 =	simm.s32 $0x1BFF;
	s22 =	sshll.u32 s8, $0x1;
	s5 =	sadd.s32 s6, s20  }
0x9e: {  	s9 =	simm.s32 $0x0;
	s21 =	sshll.u32 s7, $0x1;
	s7 =	sadd.s32 s22, s5  }
0x9f: {  	[timem:s9], [sflag:s23] =	dma.local [hbm:s7], s21  }
0xa0: {  	_ =	swait.ge [sflag:s23], s21  }
0xa1: {  	s6 =	ssub.s32 $0x0, s21;
	[sflag:s23] =	ssyncset.done $0x0  }
0xa2: {  	[sflag:s23] =	ssyncadd.s32 s6;
	_ =	sdelay $0x1  }
0xa3: {  	s24 =	simm.s32 $0x1B8B  }
0xa4: {  	_ =	swait.ge [sflag:s24], $0x1  }
0xa5: {  	[sflag:s24] =	ssyncset.done $0x0  }
0xa6: {  	s25 =	simm.s32 $0x1B8E;
	[sflag:s24] =	ssyncadd.s32 $0xFFFFFFFF  }
0xa7: {  	s26 =	simm.s32 $execute0_lowered;
	[smem:$0x3FD2] =	sst s25  }
0xa8: {  	s6 =	sshll.u32 s26, $0x1;
	_ =	strace $0x80000046;
	[dreg:$0x1] =	wrdreg $0xFFFFFFFF  }
0xa9: {  	s28 =	simm.s32 $_size_execute0_lowered;
	s5 =	sadd.s32 s5, s6;
	[dreg:$0x0] =	wrdreg $0x0  }
0xaa: {  	s6 =	sshll.u32 s28, $0x1;
	[dreg:$0x2] =	wrdreg s5  }
0xab: {  	[dreg:$0x3] =	wrdreg s6  }
0xac: {  	[dreg:$0x4] =	wrdreg $0xC0  }
0xad: {  	_ =	task [dreg:s9], $0x5FFFF  }
0xae: {  	[dreg:$0x1] =	wrdreg $0xFFFFFFFF  }
0xaf: {  	[dreg:$0x0] =	wrdreg $0x60  }
0xb0: {  	[dreg:$0x2] =	wrdreg s19  }
0xb1: {  	[dreg:$0x3] =	wrdreg s2  }
0xb2: {  	[dreg:$0x4] =	wrdreg s4  }
0xb3: {  	[dreg:$0x5] =	wrdreg $0x9  }
0xb4: {  	_ =	task.clear_ibuf [dreg:s9], $0x6FFFF;
	_ =	strace $0x90000046  }
0xb5: {  	s29 =	simm.s32 $0x9;
	_ =	strace $0x80000048  }
0xb6: {  	_ =	swait.ge [sflag:s29], $0x1  }
0xb7: {  	[sflag:s29] =	ssyncadd.s32 $0xFFFFFFFF  }
0xb8: {  	_ =	strace $0x90000048  }
0xb9: {  	_ =	sfence  }
0xba: {  	s30 =	sld [smem:$0x0];
	_ =	sdelay $0x2  }
0xbb: {  	s31 =	sshll.u32 s1, $0xD;
	s1 =	sshrl.u32 s1, $0x2  }
0xbc: {  	s3 =	sand.u32 $0x4000, s31;
	s1 =	sadd.s32 s1, s30  }
0xbd: {  	s0 =	sor.u32 s3, s0;
	s1 =	sshll.u32 s1, $0x11  }
0xbe: {  	s0 =	sor.u32 s1, s0  }
0xbf: {  	s0 =	sadd.s32 $0x8F2B, s0  }
0xc0: {  	[sflag:s0] =	ssyncadd.remote.s32 $0x1  }
0xc1: {  	_ =	sfence.sel $0xFFFF  }
0xc2: {  	[dreg:$0x0] =	wrdreg $0xFFFFFFFF;
	(pc) =	sbr.abs _section_cstart, $3  }
0xc3: {  	[dreg:$0x1] =	wrdreg $0xFFFFFFFF  }
0xc4: {  	_ =	task.clear_ibuf [dreg:s9], $0x2FFFF;
	_ =	strace $0x9FFFFFFF  }
0xc5: {  	(tm) =	ssettm $0x7FFFFFFF  }
tec
execute0_lowered:
.L_overlay_start_1:
0x0: {  	(tag) =	ssettag $0x1  }
0x1: {  	s2 =	srdreg.scid;
	s1 =	rddreg [dreg:$0x0]  }
0x2: {  	s0 =	stileid.u32;
	s3 =	rddreg [dreg:$0x1]  }
0x3: {  	s4 =	rddreg [dreg:$0x2];
	s6 =	simm.s32 $0x0;
	s14 =	simm.s32 $0x1  }
0x4: {  	s15 =	simm.s32 $0x1C700;
	s7 =	sand.u32 $0x1, s2;
	s29 =	sshll.u32 s0, $0x1  }
0x5: {  	s16 =	simm.s32 $0x1D700;
	s17 =	simm.s32 $0x3;
	s2 =	sor.u32 s7, s29  }
0x6: {  	s18 =	simm.s32 $0x4;
	s19 =	simm.s32 $0x0;
	s5 =	smul.u32 $0x34, s2  }
0x7: {  	[smem:$0x7FF] =	sst s6;
	s10 =	ssub.s32 $0x2, s7;
	s7 =	sshll.u32 s7, $0x9  }
0x8: {  	s2 =	rddreg [dreg:$0x3];
	s8 =	sshrl.u32 s5, $0x6;
	s9 =	sshrl.u32 s5, $0x3  }
0x9: {  	s11 =	sshrl.u32 s10, $0x1;
	s8 =	smul.u32 $0x61C000, s8;
	s9 =	sand.u32 $0x7, s9  }
0xa: {  	_ =	strace $0x80000047;
	s10 =	ssub.s32 s10, s11;
	s9 =	smul.u32 $0xC3800, s9  }
0xb: {  	s11 =	simm.s32 $0x400;
	s12 =	sshll.u32 s5, $0x5;
	s13 =	sshrl.u32 s5, $0x2  }
0xc: {  	s13 =	sand.u32 $0x70, s13;
	s30 =	sand.u32 $0xC000, s12;
	s8 =	sadd.s32 s8, s9  }
0xd: {  	s12 =	simm.s32 $0x18700;
	s31 =	sadd.s32 s3, s13;
	s8 =	sor.u32 s7, s8  }
0xe: {  	s13 =	simm.s32 $0x2;
	s9 =	smax.u32 s10, $0x1;
	s8 =	sshrl.u32 s8, $0x3  }
0xf: {  	s10 =	simm.s32 $0x80;
	s7 =	sadd.s32 s30, s31;
	s8 =	sadd.s32 s1, s8  }
.LBB2_1:
0x10: {  	[tilespmem:s12], [sflag:$0x2] =	stream.strided.gather [hbm4b:s7+s10], $0x4000, s11, s10, $0x38;
	[tilespmem:$0x1E700] =	vst v63  }
0x11: {  	_ =	swait.ge [sflag:s13], $0x4000  }
0x12: {  	[sflag:s13] =	ssyncset.done $0x0  }
0x13: {  	s20 =	simm.s32 $0x0;
	[sflag:s13] =	ssyncadd.s32 $0xFFFFC000  }
0x14: {  	[tilespmem:s6], [sflag:$0x1] =	stream.strided.gather [hbm4b:s8+s10], $0x18700, s11, s10, $0x38;
	[tilespmem:$0x1E700] =	vst v63  }
.LBB2_2:
0x15: {  	_ =	swait.ge [sflag:s14], $0x18700  }
0x16: {  	[sflag:s14] =	ssyncset.done $0x0  }
0x17: {  	s21 =	simm.s32 $0x18900;
	[sflag:s14] =	ssyncadd.s32 $0xFFFE7900  }
0x18: {  	v0 =	vld [tilespmem:s21+$0x180]  }
0x19: {  	v1 =	vld [tilespmem:s21+$0xFFFFFE80]  }
0x1a: {  	v2 =	vld [tilespmem:s21+$0xFFFFFF00]  }
0x1b: {  	v3 =	vld [tilespmem:s21+$0xFFFFFF80]  }
0x1c: {  	v4 =	vld [tilespmem:s21+$0x0]  }
0x1d: {  	v5 =	vld [tilespmem:s21+$0x80]  }
0x1e: {  	v6 =	vld [tilespmem:s21+$0x100]  }
0x1f: {  	v7 =	vld [tilespmem:s21+$0xFFFFFE00]  }
0x20: {  	v0 =	vld.idx.msk [tilespmem:v0+s6+$0x0], $0xffff  }
0x21: {  	v1 =	vld.idx.msk [tilespmem:v1+s6+$0x0], $0xffff  }
0x22: {  	v2 =	vld.idx.msk [tilespmem:v2+s6+$0x0], $0xffff  }
0x23: {  	v3 =	vld.idx.msk [tilespmem:v3+s6+$0x0], $0xffff  }
0x24: {  	v4 =	vld.idx.msk [tilespmem:v4+s6+$0x0], $0xffff  }
0x25: {  	s25 =	simm.s32 $0x1C900;
	v5 =	vld.idx.msk [tilespmem:v5+s6+$0x0], $0xffff  }
0x26: {  	v6 =	vld.idx.msk [tilespmem:v6+s6+$0x0], $0xffff;
	[tilespmem:s25+$0x180] =	vst v0  }
0x27: {  	[tilespmem:s25+$0xFFFFFE80] =	vst v1;
	v1 =	vld.idx.msk [tilespmem:v7+s6+$0x0], $0xffff  }
0x28: {  	v0 =	vld [tilespmem:s21+$0x190]  }
0x29: {  	[tilespmem:s25+$0xFFFFFF00] =	vst v2;
	v2 =	vld [tilespmem:s21+$0xFFFFFE90]  }
0x2a: {  	[tilespmem:s25+$0xFFFFFF80] =	vst v3;
	v3 =	vld [tilespmem:s21+$0xFFFFFF10]  }
0x2b: {  	[tilespmem:s25+$0x0] =	vst v4;
	v4 =	vld [tilespmem:s21+$0xFFFFFF90]  }
0x2c: {  	[tilespmem:s25+$0x80] =	vst v5;
	v5 =	vld [tilespmem:s21+$0x10]  }
0x2d: {  	[tilespmem:s25+$0x100] =	vst v6;
	v6 =	vld [tilespmem:s21+$0x90]  }
0x2e: {  	v7 =	vld [tilespmem:s21+$0x110];
	[tilespmem:s25+$0xFFFFFE00] =	vst v1  }
0x2f: {  	v1 =	vld [tilespmem:s21+$0xFFFFFE10]  }
0x30: {  	v0 =	vld.idx.msk [tilespmem:v0+s6+$0x0], $0xffff  }
0x31: {  	v2 =	vld.idx.msk [tilespmem:v2+s6+$0x0], $0xffff  }
0x32: {  	v3 =	vld.idx.msk [tilespmem:v3+s6+$0x0], $0xffff  }
0x33: {  	v4 =	vld.idx.msk [tilespmem:v4+s6+$0x0], $0xffff  }
0x34: {  	v5 =	vld.idx.msk [tilespmem:v5+s6+$0x0], $0xffff  }
0x35: {  	v6 =	vld.idx.msk [tilespmem:v6+s6+$0x0], $0xffff  }
0x36: {  	v7 =	vld.idx.msk [tilespmem:v7+s6+$0x0], $0xffff  }
0x37: {  	[tilespmem:s25+$0x190] =	vst v0;
	v1 =	vld.idx.msk [tilespmem:v1+s6+$0x0], $0xffff  }
0x38: {  	[tilespmem:s25+$0xFFFFFE90] =	vst v2;
	v0 =	vld [tilespmem:s21+$0x1A0]  }
0x39: {  	[tilespmem:s25+$0xFFFFFF10] =	vst v3;
	v2 =	vld [tilespmem:s21+$0xFFFFFEA0]  }
0x3a: {  	[tilespmem:s25+$0xFFFFFF90] =	vst v4;
	v3 =	vld [tilespmem:s21+$0xFFFFFF20]  }
0x3b: {  	[tilespmem:s25+$0x10] =	vst v5;
	v4 =	vld [tilespmem:s21+$0xFFFFFFA0]  }
0x3c: {  	[tilespmem:s25+$0x90] =	vst v6;
	v5 =	vld [tilespmem:s21+$0x20]  }
0x3d: {  	v6 =	vld [tilespmem:s21+$0xA0];
	[tilespmem:s25+$0xFFFFFE10] =	vst v1  }
0x3e: {  	[tilespmem:s25+$0x110] =	vst v7;
	v1 =	vld [tilespmem:s21+$0xFFFFFE20]  }
0x3f: {  	v7 =	vld [tilespmem:s21+$0x120]  }
0x40: {  	v0 =	vld.idx.msk [tilespmem:v0+s6+$0x0], $0xffff  }
0x41: {  	v2 =	vld.idx.msk [tilespmem:v2+s6+$0x0], $0xffff  }
0x42: {  	v3 =	vld.idx.msk [tilespmem:v3+s6+$0x0], $0xffff  }
0x43: {  	v4 =	vld.idx.msk [tilespmem:v4+s6+$0x0], $0xffff  }
0x44: {  	v5 =	vld.idx.msk [tilespmem:v5+s6+$0x0], $0xffff  }
0x45: {  	v6 =	vld.idx.msk [tilespmem:v6+s6+$0x0], $0xffff  }
0x46: {  	[tilespmem:s25+$0x1A0] =	vst v0;
	v1 =	vld.idx.msk [tilespmem:v1+s6+$0x0], $0xffff  }
0x47: {  	[tilespmem:s25+$0xFFFFFEA0] =	vst v2;
	v2 =	vld.idx.msk [tilespmem:v7+s6+$0x0], $0xffff  }
0x48: {  	[tilespmem:s25+$0xFFFFFF20] =	vst v3;
	v0 =	vld [tilespmem:s21+$0x1B0]  }
0x49: {  	[tilespmem:s25+$0xFFFFFFA0] =	vst v4;
	v3 =	vld [tilespmem:s21+$0xFFFFFEB0]  }
0x4a: {  	[tilespmem:s25+$0x20] =	vst v5;
	v4 =	vld [tilespmem:s21+$0xFFFFFF30]  }
0x4b: {  	[tilespmem:s25+$0xA0] =	vst v6;
	v5 =	vld [tilespmem:s21+$0xFFFFFFB0]  }
0x4c: {  	v7 =	vld [tilespmem:s21+$0x30];
	[tilespmem:s25+$0xFFFFFE20] =	vst v1  }
0x4d: {  	[tilespmem:s25+$0x120] =	vst v2;
	v2 =	vld [tilespmem:s21+$0xB0]  }
0x4e: {  	v1 =	vld [tilespmem:s21+$0xFFFFFE30]  }
0x4f: {  	v6 =	vld [tilespmem:s21+$0x130]  }
0x50: {  	v0 =	vld.idx.msk [tilespmem:v0+s6+$0x0], $0xffff  }
0x51: {  	v3 =	vld.idx.msk [tilespmem:v3+s6+$0x0], $0xffff  }
0x52: {  	v4 =	vld.idx.msk [tilespmem:v4+s6+$0x0], $0xffff  }
0x53: {  	v5 =	vld.idx.msk [tilespmem:v5+s6+$0x0], $0xffff  }
0x54: {  	v7 =	vld.idx.msk [tilespmem:v7+s6+$0x0], $0xffff  }
0x55: {  	v2 =	vld.idx.msk [tilespmem:v2+s6+$0x0], $0xffff  }
0x56: {  	[tilespmem:s25+$0x1B0] =	vst v0;
	v1 =	vld.idx.msk [tilespmem:v1+s6+$0x0], $0xffff  }
0x57: {  	[tilespmem:s25+$0xFFFFFEB0] =	vst v3;
	v3 =	vld.idx.msk [tilespmem:v6+s6+$0x0], $0xffff  }
0x58: {  	[tilespmem:s25+$0xFFFFFF30] =	vst v4;
	v0 =	vld [tilespmem:s21+$0x1C0]  }
0x59: {  	[tilespmem:s25+$0xFFFFFFB0] =	vst v5;
	v4 =	vld [tilespmem:s21+$0xFFFFFEC0]  }
0x5a: {  	[tilespmem:s25+$0x30] =	vst v7;
	v5 =	vld [tilespmem:s21+$0xFFFFFF40]  }
0x5b: {  	v6 =	vld [tilespmem:s21+$0xFFFFFFC0];
	[tilespmem:s25+$0xB0] =	vst v2  }
0x5c: {  	v2 =	vld [tilespmem:s21+$0x40];
	[tilespmem:s25+$0xFFFFFE30] =	vst v1  }
0x5d: {  	[tilespmem:s25+$0x130] =	vst v3;
	v3 =	vld [tilespmem:s21+$0xC0]  }
0x5e: {  	v1 =	vld [tilespmem:s21+$0xFFFFFE40]  }
0x5f: {  	v7 =	vld [tilespmem:s21+$0x140]  }
0x60: {  	v0 =	vld.idx.msk [tilespmem:v0+s6+$0x0], $0xffff  }
0x61: {  	v4 =	vld.idx.msk [tilespmem:v4+s6+$0x0], $0xffff  }
0x62: {  	v5 =	vld.idx.msk [tilespmem:v5+s6+$0x0], $0xffff  }
0x63: {  	v6 =	vld.idx.msk [tilespmem:v6+s6+$0x0], $0xffff  }
0x64: {  	v2 =	vld.idx.msk [tilespmem:v2+s6+$0x0], $0xffff  }
0x65: {  	v3 =	vld.idx.msk [tilespmem:v3+s6+$0x0], $0xffff  }
0x66: {  	[tilespmem:s25+$0x1C0] =	vst v0;
	v1 =	vld.idx.msk [tilespmem:v1+s6+$0x0], $0xffff  }
0x67: {  	[tilespmem:s25+$0xFFFFFEC0] =	vst v4;
	v4 =	vld.idx.msk [tilespmem:v7+s6+$0x0], $0xffff  }
0x68: {  	[tilespmem:s25+$0xFFFFFF40] =	vst v5;
	v0 =	vld [tilespmem:s21+$0x1D0]  }
0x69: {  	[tilespmem:s25+$0xFFFFFFC0] =	vst v6;
	v5 =	vld [tilespmem:s21+$0xFFFFFED0]  }
0x6a: {  	v7 =	vld [tilespmem:s21+$0xFFFFFF50];
	[tilespmem:s25+$0x40] =	vst v2  }
0x6b: {  	v2 =	vld [tilespmem:s21+$0xFFFFFFD0];
	[tilespmem:s25+$0xC0] =	vst v3  }
0x6c: {  	v3 =	vld [tilespmem:s21+$0x50];
	[tilespmem:s25+$0xFFFFFE40] =	vst v1  }
0x6d: {  	[tilespmem:s25+$0x140] =	vst v4;
	v4 =	vld [tilespmem:s21+$0xD0]  }
0x6e: {  	v1 =	vld [tilespmem:s21+$0xFFFFFE50]  }
0x6f: {  	v6 =	vld [tilespmem:s21+$0x150]  }
0x70: {  	v0 =	vld.idx.msk [tilespmem:v0+s6+$0x0], $0xffff  }
0x71: {  	v5 =	vld.idx.msk [tilespmem:v5+s6+$0x0], $0xffff  }
0x72: {  	v7 =	vld.idx.msk [tilespmem:v7+s6+$0x0], $0xffff  }
0x73: {  	v2 =	vld.idx.msk [tilespmem:v2+s6+$0x0], $0xffff  }
0x74: {  	v3 =	vld.idx.msk [tilespmem:v3+s6+$0x0], $0xffff  }
0x75: {  	v4 =	vld.idx.msk [tilespmem:v4+s6+$0x0], $0xffff  }
0x76: {  	[tilespmem:s25+$0x1D0] =	vst v0;
	v1 =	vld.idx.msk [tilespmem:v1+s6+$0x0], $0xffff  }
0x77: {  	[tilespmem:s25+$0xFFFFFED0] =	vst v5;
	v5 =	vld.idx.msk [tilespmem:v6+s6+$0x0], $0xffff  }
0x78: {  	[tilespmem:s25+$0xFFFFFF50] =	vst v7;
	v0 =	vld [tilespmem:s21+$0x1E0]  }
0x79: {  	v6 =	vld [tilespmem:s21+$0xFFFFFEE0];
	[tilespmem:s25+$0xFFFFFFD0] =	vst v2  }
0x7a: {  	v2 =	vld [tilespmem:s21+$0xFFFFFF60];
	[tilespmem:s25+$0x50] =	vst v3  }
0x7b: {  	v3 =	vld [tilespmem:s21+$0xFFFFFFE0];
	[tilespmem:s25+$0xFFFFFE50] =	vst v1  }
0x7c: {  	v1 =	vld [tilespmem:s21+$0xFFFFFE60]  }
0x7d: {  	[tilespmem:s25+$0xD0] =	vst v4;
	v4 =	vld [tilespmem:s21+$0x60]  }
0x7e: {  	[tilespmem:s25+$0x150] =	vst v5;
	v5 =	vld [tilespmem:s21+$0xE0]  }
0x7f: {  	v7 =	vld [tilespmem:s21+$0x160]  }
0x80: {  	v0 =	vld.idx.msk [tilespmem:v0+s6+$0x0], $0xffff  }
0x81: {  	v6 =	vld.idx.msk [tilespmem:v6+s6+$0x0], $0xffff  }
0x82: {  	v2 =	vld.idx.msk [tilespmem:v2+s6+$0x0], $0xffff  }
0x83: {  	v3 =	vld.idx.msk [tilespmem:v3+s6+$0x0], $0xffff  }
0x84: {  	v1 =	vld.idx.msk [tilespmem:v1+s6+$0x0], $0xffff  }
0x85: {  	v4 =	vld.idx.msk [tilespmem:v4+s6+$0x0], $0xffff  }
0x86: {  	v5 =	vld.idx.msk [tilespmem:v5+s6+$0x0], $0xffff;
	[tilespmem:s25+$0x1E0] =	vst v0  }
0x87: {  	[tilespmem:s25+$0xFFFFFEE0] =	vst v6;
	v0 =	vld [tilespmem:s21+$0x1F0]  }
0x88: {  	v7 =	vld.idx.msk [tilespmem:v7+s6+$0x0], $0xffff;
	[tilespmem:s25+$0xFFFFFF60] =	vst v2  }
0x89: {  	v2 =	vld [tilespmem:s21+$0xFFFFFEF0];
	[tilespmem:s25+$0xFFFFFE60] =	vst v1  }
0x8a: {  	v1 =	vld [tilespmem:s21+$0xFFFFFE70]  }
0x8b: {  	[tilespmem:s25+$0xFFFFFFE0] =	vst v3;
	v3 =	vld [tilespmem:s21+$0xFFFFFF70]  }
0x8c: {  	v8 =	vld [tilespmem:s21+$0xFFFFFFF0];
	[tilespmem:s25+$0xE0] =	vst v5  }
0x8d: {  	[tilespmem:s25+$0x60] =	vst v4;
	v10 =	vld [tilespmem:s21+$0xF0]  }
0x8e: {  	v9 =	vld [tilespmem:s21+$0x70]  }
0x8f: {  	[tilespmem:s25+$0x160] =	vst v7;
	v11 =	vld.idx.msk [tilespmem:v0+s6+$0x0], $0xffff  }
0x90: {  	v0 =	vld [tilespmem:s21+$0x170]  }
0x91: {  	v5 =	vld.idx.msk [tilespmem:v2+s6+$0x0], $0xffff  }
0x92: {  	v6 =	vld.idx.msk [tilespmem:v1+s6+$0x0], $0xffff  }
0x93: {  	v4 =	vld.idx.msk [tilespmem:v3+s6+$0x0], $0xffff  }
0x94: {  	v3 =	vld.idx.msk [tilespmem:v8+s6+$0x0], $0xffff  }
0x95: {  	v2 =	vld.idx.msk [tilespmem:v10+s6+$0x0], $0xffff  }
0x96: {  	s22 =	simm.s32 $0x18D00;
	s26 =	simm.s32 $0x1C900;
	s21 =	simm.s32 $0x0;
	v1 =	vld.idx.msk [tilespmem:v9+s6+$0x0], $0xffff;
	[tilespmem:s25+$0x1F0] =	vst v11  }
.LBB2_3:
0x97: {  	v7 =	vld [tilespmem:s22+$0x180];
	s21 =	sadd.s32 $0x8, s21;
	[tilespmem:s25+$0xFFFFFE70] =	vst v6  }
0x98: {  	v6 =	vld [tilespmem:s22+$0xFFFFFE80];
	p0 =	slt.u32 s21, $0x18;
	[tilespmem:s25+$0xFFFFFEF0] =	vst v5  }
0x99: {  	v5 =	vld [tilespmem:s22+$0xFFFFFF00];
	[tilespmem:s25+$0xFFFFFF70] =	vst v4  }
0x9a: {  	v4 =	vld [tilespmem:s22+$0xFFFFFF80];
	[tilespmem:s25+$0xFFFFFFF0] =	vst v3  }
0x9b: {  	v3 =	vld [tilespmem:s22+$0x0];
	[tilespmem:s25+$0x70] =	vst v1  }
0x9c: {  	v1 =	vld [tilespmem:s22+$0x80];
	[tilespmem:s25+$0xF0] =	vst v2  }
0x9d: {  	v2 =	vld [tilespmem:s22+$0x100]  }
0x9e: {  	v8 =	vld [tilespmem:s22+$0xFFFFFE00]  }
0x9f: {  	v7 =	vld.idx.msk [tilespmem:v7+s6+$0x0], $0xffff  }
0xa0: {  	v6 =	vld.idx.msk [tilespmem:v6+s6+$0x0], $0xffff  }
0xa1: {  	v5 =	vld.idx.msk [tilespmem:v5+s6+$0x0], $0xffff  }
0xa2: {  	v4 =	vld.idx.msk [tilespmem:v4+s6+$0x0], $0xffff  }
0xa3: {  	v3 =	vld.idx.msk [tilespmem:v3+s6+$0x0], $0xffff  }
0xa4: {  	s25 =	sadd.s32 $0x400, s25;
	v1 =	vld.idx.msk [tilespmem:v1+s6+$0x0], $0xffff  }
0xa5: {  	v2 =	vld.idx.msk [tilespmem:v2+s6+$0x0], $0xffff;
	[tilespmem:s25+$0x180] =	vst v7  }
0xa6: {  	[tilespmem:s25+$0xFFFFFE80] =	vst v6;
	v6 =	vld [tilespmem:s22+$0x190]  }
0xa7: {  	v7 =	vld.idx.msk [tilespmem:v8+s6+$0x0], $0xffff;
	[tilespmem:s25+$0xFFFFFF00] =	vst v5  }
0xa8: {  	v5 =	vld [tilespmem:s22+$0xFFFFFE90];
	[tilespmem:s25+$0xFFFFFF80] =	vst v4  }
0xa9: {  	v4 =	vld [tilespmem:s22+$0xFFFFFF10];
	[tilespmem:s25+$0x0] =	vst v3  }
0xaa: {  	v3 =	vld [tilespmem:s22+$0xFFFFFF90];
	[tilespmem:s25+$0x80] =	vst v1  }
0xab: {  	v1 =	vld [tilespmem:s22+$0x10];
	[tilespmem:s25+$0x100] =	vst v2  }
0xac: {  	v2 =	vld [tilespmem:s22+$0x90]  }
0xad: {  	[tilespmem:s25+$0xFFFFFE00] =	vst v7;
	v7 =	vld [tilespmem:s22+$0x110]  }
0xae: {  	v6 =	vld.idx.msk [tilespmem:v6+s6+$0x0], $0xffff  }
0xaf: {  	v8 =	vld [tilespmem:s22+$0xFFFFFE10]  }
0xb0: {  	v5 =	vld.idx.msk [tilespmem:v5+s6+$0x0], $0xffff  }
0xb1: {  	v4 =	vld.idx.msk [tilespmem:v4+s6+$0x0], $0xffff  }
0xb2: {  	v3 =	vld.idx.msk [tilespmem:v3+s6+$0x0], $0xffff  }
0xb3: {  	v1 =	vld.idx.msk [tilespmem:v1+s6+$0x0], $0xffff  }
0xb4: {  	v2 =	vld.idx.msk [tilespmem:v2+s6+$0x0], $0xffff;
	[tilespmem:s25+$0x190] =	vst v6  }
0xb5: {  	v6 =	vld [tilespmem:s22+$0x1A0]  }
0xb6: {  	[tilespmem:s25+$0xFFFFFE90] =	vst v5;
	v5 =	vld.idx.msk [tilespmem:v7+s6+$0x0], $0xffff  }
0xb7: {  	v7 =	vld.idx.msk [tilespmem:v8+s6+$0x0], $0xffff;
	[tilespmem:s25+$0xFFFFFF10] =	vst v4  }
0xb8: {  	v4 =	vld [tilespmem:s22+$0xFFFFFEA0];
	[tilespmem:s25+$0xFFFFFF90] =	vst v3  }
0xb9: {  	v3 =	vld [tilespmem:s22+$0xFFFFFF20];
	[tilespmem:s25+$0x10] =	vst v1  }
0xba: {  	v1 =	vld [tilespmem:s22+$0xFFFFFFA0];
	[tilespmem:s25+$0x90] =	vst v2  }
0xbb: {  	v2 =	vld [tilespmem:s22+$0x20]  }
0xbc: {  	v8 =	vld [tilespmem:s22+$0xA0];
	[tilespmem:s25+$0x110] =	vst v5  }
0xbd: {  	[tilespmem:s25+$0xFFFFFE10] =	vst v7;
	v5 =	vld.idx.msk [tilespmem:v6+s6+$0x0], $0xffff  }
0xbe: {  	v6 =	vld [tilespmem:s22+$0xFFFFFE20]  }
0xbf: {  	v7 =	vld [tilespmem:s22+$0x120]  }
0xc0: {  	v4 =	vld.idx.msk [tilespmem:v4+s6+$0x0], $0xffff  }
0xc1: {  	v3 =	vld.idx.msk [tilespmem:v3+s6+$0x0], $0xffff  }
0xc2: {  	v1 =	vld.idx.msk [tilespmem:v1+s6+$0x0], $0xffff  }
0xc3: {  	v2 =	vld.idx.msk [tilespmem:v2+s6+$0x0], $0xffff;
	[tilespmem:s25+$0x1A0] =	vst v5  }
0xc4: {  	v5 =	vld [tilespmem:s22+$0x1B0]  }
0xc5: {  	v8 =	vld.idx.msk [tilespmem:v8+s6+$0x0], $0xffff  }
0xc6: {  	v6 =	vld.idx.msk [tilespmem:v6+s6+$0x0], $0xffff;
	[tilespmem:s25+$0xFFFFFEA0] =	vst v4  }
0xc7: {  	[tilespmem:s25+$0xFFFFFF20] =	vst v3;
	v3 =	vld.idx.msk [tilespmem:v7+s6+$0x0], $0xffff  }
0xc8: {  	v4 =	vld [tilespmem:s22+$0xFFFFFEB0];
	[tilespmem:s25+$0xFFFFFFA0] =	vst v1  }
0xc9: {  	v1 =	vld [tilespmem:s22+$0xFFFFFF30];
	[tilespmem:s25+$0x20] =	vst v2  }
0xca: {  	v2 =	vld [tilespmem:s22+$0xFFFFFFB0]  }
0xcb: {  	v7 =	vld [tilespmem:s22+$0x30];
	[tilespmem:s25+$0xA0] =	vst v8  }
0xcc: {  	[tilespmem:s25+$0xFFFFFE20] =	vst v6;
	v5 =	vld.idx.msk [tilespmem:v5+s6+$0x0], $0xffff  }
0xcd: {  	v6 =	vld [tilespmem:s22+$0xFFFFFE30];
	[tilespmem:s25+$0x120] =	vst v3  }
0xce: {  	v3 =	vld [tilespmem:s22+$0xB0]  }
0xcf: {  	v8 =	vld [tilespmem:s22+$0x130]  }
0xd0: {  	v4 =	vld.idx.msk [tilespmem:v4+s6+$0x0], $0xffff  }
0xd1: {  	v1 =	vld.idx.msk [tilespmem:v1+s6+$0x0], $0xffff  }
0xd2: {  	v2 =	vld.idx.msk [tilespmem:v2+s6+$0x0], $0xffff;
	[tilespmem:s25+$0x1B0] =	vst v5  }
0xd3: {  	v5 =	vld [tilespmem:s22+$0x1C0]  }
0xd4: {  	v7 =	vld.idx.msk [tilespmem:v7+s6+$0x0], $0xffff  }
0xd5: {  	v6 =	vld.idx.msk [tilespmem:v6+s6+$0x0], $0xffff  }
0xd6: {  	[tilespmem:s25+$0xFFFFFEB0] =	vst v4;
	v3 =	vld.idx.msk [tilespmem:v3+s6+$0x0], $0xffff  }
0xd7: {  	[tilespmem:s25+$0xFFFFFF30] =	vst v1;
	v1 =	vld.idx.msk [tilespmem:v8+s6+$0x0], $0xffff  }
0xd8: {  	v4 =	vld [tilespmem:s22+$0xFFFFFEC0];
	[tilespmem:s25+$0xFFFFFFB0] =	vst v2  }
0xd9: {  	v2 =	vld [tilespmem:s22+$0xFFFFFF40]  }
0xda: {  	v8 =	vld [tilespmem:s22+$0xFFFFFFC0];
	[tilespmem:s25+$0x30] =	vst v7  }
0xdb: {  	[tilespmem:s25+$0xFFFFFE30] =	vst v6;
	v5 =	vld.idx.msk [tilespmem:v5+s6+$0x0], $0xffff  }
0xdc: {  	v6 =	vld [tilespmem:s22+$0xFFFFFE40];
	[tilespmem:s25+$0xB0] =	vst v3  }
0xdd: {  	v3 =	vld [tilespmem:s22+$0x40];
	[tilespmem:s25+$0x130] =	vst v1  }
0xde: {  	v1 =	vld [tilespmem:s22+$0xC0]  }
0xdf: {  	v7 =	vld [tilespmem:s22+$0x140]  }
0xe0: {  	v4 =	vld.idx.msk [tilespmem:v4+s6+$0x0], $0xffff  }
0xe1: {  	v2 =	vld.idx.msk [tilespmem:v2+s6+$0x0], $0xffff;
	[tilespmem:s25+$0x1C0] =	vst v5  }
0xe2: {  	v5 =	vld [tilespmem:s22+$0x1D0]  }
0xe3: {  	v8 =	vld.idx.msk [tilespmem:v8+s6+$0x0], $0xffff  }
0xe4: {  	v6 =	vld.idx.msk [tilespmem:v6+s6+$0x0], $0xffff  }
0xe5: {  	v3 =	vld.idx.msk [tilespmem:v3+s6+$0x0], $0xffff  }
0xe6: {  	[tilespmem:s25+$0xFFFFFEC0] =	vst v4;
	v1 =	vld.idx.msk [tilespmem:v1+s6+$0x0], $0xffff  }
0xe7: {  	[tilespmem:s25+$0xFFFFFF40] =	vst v2;
	v2 =	vld.idx.msk [tilespmem:v7+s6+$0x0], $0xffff  }
0xe8: {  	v4 =	vld [tilespmem:s22+$0xFFFFFED0]  }
0xe9: {  	v7 =	vld [tilespmem:s22+$0xFFFFFF50];
	[tilespmem:s25+$0xFFFFFFC0] =	vst v8  }
0xea: {  	[tilespmem:s25+$0xFFFFFE40] =	vst v6;
	v5 =	vld.idx.msk [tilespmem:v5+s6+$0x0], $0xffff  }
0xeb: {  	v6 =	vld [tilespmem:s22+$0xFFFFFE50];
	[tilespmem:s25+$0x40] =	vst v3  }
0xec: {  	v3 =	vld [tilespmem:s22+$0xFFFFFFD0];
	[tilespmem:s25+$0xC0] =	vst v1  }
0xed: {  	v1 =	vld [tilespmem:s22+$0x50];
	[tilespmem:s25+$0x140] =	vst v2  }
0xee: {  	v2 =	vld [tilespmem:s22+$0xD0]  }
0xef: {  	v8 =	vld [tilespmem:s22+$0x150]  }
0xf0: {  	v4 =	vld.idx.msk [tilespmem:v4+s6+$0x0], $0xffff;
	[tilespmem:s25+$0x1D0] =	vst v5  }
0xf1: {  	v5 =	vld [tilespmem:s22+$0x1E0]  }
0xf2: {  	v7 =	vld.idx.msk [tilespmem:v7+s6+$0x0], $0xffff  }
0xf3: {  	v6 =	vld.idx.msk [tilespmem:v6+s6+$0x0], $0xffff  }
0xf4: {  	v3 =	vld.idx.msk [tilespmem:v3+s6+$0x0], $0xffff  }
0xf5: {  	v1 =	vld.idx.msk [tilespmem:v1+s6+$0x0], $0xffff  }
0xf6: {  	[tilespmem:s25+$0xFFFFFED0] =	vst v4;
	v2 =	vld.idx.msk [tilespmem:v2+s6+$0x0], $0xffff  }
0xf7: {  	v4 =	vld.idx.msk [tilespmem:v8+s6+$0x0], $0xffff  }
0xf8: {  	v8 =	vld [tilespmem:s22+$0xFFFFFEE0];
	[tilespmem:s25+$0xFFFFFF50] =	vst v7  }
0xf9: {  	[tilespmem:s25+$0xFFFFFE50] =	vst v6;
	v5 =	vld.idx.msk [tilespmem:v5+s6+$0x0], $0xffff  }
0xfa: {  	v6 =	vld [tilespmem:s22+$0xFFFFFE60];
	[tilespmem:s25+$0xFFFFFFD0] =	vst v3  }
0xfb: {  	v3 =	vld [tilespmem:s22+$0xFFFFFF60];
	[tilespmem:s25+$0x50] =	vst v1  }
0xfc: {  	v1 =	vld [tilespmem:s22+$0xFFFFFFE0];
	[tilespmem:s25+$0xD0] =	vst v2  }
0xfd: {  	v2 =	vld [tilespmem:s22+$0x60];
	[tilespmem:s25+$0x150] =	vst v4  }
0xfe: {  	v4 =	vld [tilespmem:s22+$0xE0]  }
0xff: {  	v7 =	vld [tilespmem:s22+$0x160];
	[tilespmem:s25+$0x1E0] =	vst v5  }
0x100: {  	v5 =	vld [tilespmem:s22+$0x1F0]  }
0x101: {  	v8 =	vld.idx.msk [tilespmem:v8+s6+$0x0], $0xffff  }
0x102: {  	v6 =	vld.idx.msk [tilespmem:v6+s6+$0x0], $0xffff  }
0x103: {  	v3 =	vld.idx.msk [tilespmem:v3+s6+$0x0], $0xffff  }
0x104: {  	v1 =	vld.idx.msk [tilespmem:v1+s6+$0x0], $0xffff  }
0x105: {  	v2 =	vld.idx.msk [tilespmem:v2+s6+$0x0], $0xffff  }
0x106: {  	v4 =	vld.idx.msk [tilespmem:v4+s6+$0x0], $0xffff  }
0x107: {  	[tilespmem:s25+$0xFFFFFEE0] =	vst v8;
	v7 =	vld.idx.msk [tilespmem:v7+s6+$0x0], $0xffff  }
0x108: {  	[tilespmem:s25+$0xFFFFFE60] =	vst v6;
	v5 =	vld.idx.msk [tilespmem:v5+s6+$0x0], $0xffff  }
0x109: {  	v6 =	vld [tilespmem:s22+$0xFFFFFE70];
	[tilespmem:s25+$0xFFFFFF60] =	vst v3  }
0x10a: {  	v3 =	vld [tilespmem:s22+$0xFFFFFEF0];
	[tilespmem:s25+$0xFFFFFFE0] =	vst v1  }
0x10b: {  	v1 =	vld [tilespmem:s22+$0xFFFFFF70];
	[tilespmem:s25+$0x60] =	vst v2  }
0x10c: {  	v2 =	vld [tilespmem:s22+$0xFFFFFFF0];
	[tilespmem:s25+$0xE0] =	vst v4  }
0x10d: {  	v8 =	vld [tilespmem:s22+$0x70];
	[tilespmem:s25+$0x160] =	vst v7  }
0x10e: {  	v7 =	vld [tilespmem:s22+$0xF0];
	[tilespmem:s25+$0x1F0] =	vst v5  }
0x10f: {  	v9 =	vld [tilespmem:s22+$0x170]  }
0x110: {  	v10 =	vld.idx.msk [tilespmem:v0+s6+$0x0], $0xffff  }
0x111: {  	v6 =	vld.idx.msk [tilespmem:v6+s6+$0x0], $0xffff  }
.Ltmp0:
0x112: {  	v5 =	vld.idx.msk [tilespmem:v3+s6+$0x0], $0xffff;
	(pc) =	sbr.rel @p0 .LBB2_3-.Ltmp0, $4  }
0x113: {  	v4 =	vld.idx.msk [tilespmem:v1+s6+$0x0], $0xffff  }
0x114: {  	v3 =	vld.idx.msk [tilespmem:v2+s6+$0x0], $0xffff;
	v0 =	vmov v9  }
0x115: {  	v1 =	vld.idx.msk [tilespmem:v8+s6+$0x0], $0xffff  }
0x116: {  	s22 =	sadd.s32 $0x400, s22;
	v2 =	vld.idx.msk [tilespmem:v7+s6+$0x0], $0xffff;
	[tilespmem:s26+$0x170] =	vst v10;
	s26 =	smov.u32 s25  }
0x117: {  	s21 =	sadd.s32 s5, s20  }
0x118: {  	s22 =	sand.u32 $0x3F, s21  }
0x119: {  	s23 =	sshrl.u32 s22, $0x3  }
0x11a: {  	[tilespmem:s25+$0xFFFFFE70] =	vst v6;
	s24 =	sshll.u32 s21, $0xE;
	s22 =	sshll.u32 s22, $0x7;
	s28 =	sshll.u32 s23, $0xA  }
0x11b: {  	[tilespmem:s25+$0xFFFFFEF0] =	vst v5;
	v0 =	vld.idx.msk [tilespmem:v0+s6+$0x0], $0xffff;
	s24 =	sand.u32 $0x7FF00000, s24;
	s23 =	sshll.u32 s23, $0x11;
	s22 =	ssub.s32 s22, s28  }
0x11c: {  	[tilespmem:s25+$0xFFFFFF70] =	vst v4;
	s31 =	sshll.u32 s21, $0x7;
	s23 =	sor.u32 s24, s23;
	s22 =	sand.u32 $0xFFFFFC00, s22  }
0x11d: {  	[tilespmem:s25+$0xFFFFFFF0] =	vst v3;
	s24 =	sand.u32 $0x380, s31;
	s28 =	sadd.s32 s23, s22  }
0x11e: {  	[tilespmem:s25+$0x70] =	vst v1;
	s28 =	sor.u32 s24, s28  }
0x11f: {  	[tilespmem:s25+$0xF0] =	vst v2;
	s30 =	sshrl.u32 s28, $0x3  }
0x120: {  	s31 =	simm.s32 $0x19AF0;
	[tilespmem:s26+$0x170] =	vst v0;
	s25 =	sadd.s32 s4, s30  }
0x121: {  	[hbm4b:s25+s10] =	stream.strided.scatter [tilespmem:s15], [sflag:$0x3], $0x1000, s11, s10, $0x38;
	[tilespmem:$0x1E700] =	vst v63  }
0x122: {  	v0 =	vld [tilespmem:s31+$0xFFFFFF90]  }
0x123: {  	v1 =	vld [tilespmem:s31+$0xFFFFFC90]  }
0x124: {  	v2 =	vld [tilespmem:s31+$0xFFFFFD10]  }
0x125: {  	v3 =	vld [tilespmem:s31+$0xFFFFFD90]  }
0x126: {  	v4 =	vld [tilespmem:s31+$0xFFFFFE10]  }
0x127: {  	v5 =	vld [tilespmem:s31+$0xFFFFFE90]  }
0x128: {  	v6 =	vld [tilespmem:s31+$0xFFFFFF10]  }
0x129: {  	v7 =	vld [tilespmem:s31+$0xFFFFFC10]  }
0x12a: {  	v0 =	vld.idx.msk [tilespmem:v0+s6+$0x0], $0xffff  }
0x12b: {  	v1 =	vld.idx.msk [tilespmem:v1+s6+$0x0], $0xffff  }
0x12c: {  	v2 =	vld.idx.msk [tilespmem:v2+s6+$0x0], $0xffff  }
0x12d: {  	v3 =	vld.idx.msk [tilespmem:v3+s6+$0x0], $0xffff  }
0x12e: {  	v4 =	vld.idx.msk [tilespmem:v4+s6+$0x0], $0xffff  }
0x12f: {  	s25 =	simm.s32 $0x1D900;
	v5 =	vld.idx.msk [tilespmem:v5+s6+$0x0], $0xffff  }
0x130: {  	v6 =	vld.idx.msk [tilespmem:v6+s6+$0x0], $0xffff;
	[tilespmem:s25+$0x180] =	vst v0  }
0x131: {  	[tilespmem:s25+$0xFFFFFE80] =	vst v1;
	v1 =	vld.idx.msk [tilespmem:v7+s6+$0x0], $0xffff  }
0x132: {  	v0 =	vld [tilespmem:s31+$0xFFFFFFA0]  }
0x133: {  	[tilespmem:s25+$0xFFFFFF00] =	vst v2;
	v2 =	vld [tilespmem:s31+$0xFFFFFCA0]  }
0x134: {  	[tilespmem:s25+$0xFFFFFF80] =	vst v3;
	v3 =	vld [tilespmem:s31+$0xFFFFFD20]  }
0x135: {  	[tilespmem:s25+$0x0] =	vst v4;
	v4 =	vld [tilespmem:s31+$0xFFFFFDA0]  }
0x136: {  	[tilespmem:s25+$0x80] =	vst v5;
	v5 =	vld [tilespmem:s31+$0xFFFFFE20]  }
0x137: {  	[tilespmem:s25+$0x100] =	vst v6;
	v6 =	vld [tilespmem:s31+$0xFFFFFEA0]  }
0x138: {  	v7 =	vld [tilespmem:s31+$0xFFFFFF20];
	[tilespmem:s25+$0xFFFFFE00] =	vst v1  }
0x139: {  	v1 =	vld [tilespmem:s31+$0xFFFFFC20]  }
0x13a: {  	v0 =	vld.idx.msk [tilespmem:v0+s6+$0x0], $0xffff  }
0x13b: {  	v2 =	vld.idx.msk [tilespmem:v2+s6+$0x0], $0xffff  }
0x13c: {  	v3 =	vld.idx.msk [tilespmem:v3+s6+$0x0], $0xffff  }
0x13d: {  	v4 =	vld.idx.msk [tilespmem:v4+s6+$0x0], $0xffff  }
0x13e: {  	v5 =	vld.idx.msk [tilespmem:v5+s6+$0x0], $0xffff  }
0x13f: {  	v6 =	vld.idx.msk [tilespmem:v6+s6+$0x0], $0xffff  }
0x140: {  	v7 =	vld.idx.msk [tilespmem:v7+s6+$0x0], $0xffff  }
0x141: {  	[tilespmem:s25+$0x190] =	vst v0;
	v1 =	vld.idx.msk [tilespmem:v1+s6+$0x0], $0xffff  }
0x142: {  	[tilespmem:s25+$0xFFFFFE90] =	vst v2;
	v0 =	vld [tilespmem:s31+$0xFFFFFFB0]  }
0x143: {  	[tilespmem:s25+$0xFFFFFF10] =	vst v3;
	v2 =	vld [tilespmem:s31+$0xFFFFFCB0]  }
0x144: {  	[tilespmem:s25+$0xFFFFFF90] =	vst v4;
	v3 =	vld [tilespmem:s31+$0xFFFFFD30]  }
0x145: {  	[tilespmem:s25+$0x10] =	vst v5;
	v4 =	vld [tilespmem:s31+$0xFFFFFDB0]  }
0x146: {  	[tilespmem:s25+$0x90] =	vst v6;
	v5 =	vld [tilespmem:s31+$0xFFFFFE30]  }
0x147: {  	v6 =	vld [tilespmem:s31+$0xFFFFFEB0];
	[tilespmem:s25+$0xFFFFFE10] =	vst v1  }
0x148: {  	[tilespmem:s25+$0x110] =	vst v7;
	v1 =	vld [tilespmem:s31+$0xFFFFFC30]  }
0x149: {  	v7 =	vld [tilespmem:s31+$0xFFFFFF30]  }
0x14a: {  	v0 =	vld.idx.msk [tilespmem:v0+s6+$0x0], $0xffff  }
0x14b: {  	v2 =	vld.idx.msk [tilespmem:v2+s6+$0x0], $0xffff  }
0x14c: {  	v3 =	vld.idx.msk [tilespmem:v3+s6+$0x0], $0xffff  }
0x14d: {  	v4 =	vld.idx.msk [tilespmem:v4+s6+$0x0], $0xffff  }
0x14e: {  	v5 =	vld.idx.msk [tilespmem:v5+s6+$0x0], $0xffff  }
0x14f: {  	v6 =	vld.idx.msk [tilespmem:v6+s6+$0x0], $0xffff  }
0x150: {  	[tilespmem:s25+$0x1A0] =	vst v0;
	v1 =	vld.idx.msk [tilespmem:v1+s6+$0x0], $0xffff  }
0x151: {  	[tilespmem:s25+$0xFFFFFEA0] =	vst v2;
	v2 =	vld.idx.msk [tilespmem:v7+s6+$0x0], $0xffff  }
0x152: {  	[tilespmem:s25+$0xFFFFFF20] =	vst v3;
	v0 =	vld [tilespmem:s31+$0xFFFFFFC0]  }
0x153: {  	[tilespmem:s25+$0xFFFFFFA0] =	vst v4;
	v3 =	vld [tilespmem:s31+$0xFFFFFCC0]  }
0x154: {  	[tilespmem:s25+$0x20] =	vst v5;
	v4 =	vld [tilespmem:s31+$0xFFFFFD40]  }
0x155: {  	[tilespmem:s25+$0xA0] =	vst v6;
	v5 =	vld [tilespmem:s31+$0xFFFFFDC0]  }
0x156: {  	v7 =	vld [tilespmem:s31+$0xFFFFFE40];
	[tilespmem:s25+$0xFFFFFE20] =	vst v1  }
0x157: {  	[tilespmem:s25+$0x120] =	vst v2;
	v2 =	vld [tilespmem:s31+$0xFFFFFEC0]  }
0x158: {  	v1 =	vld [tilespmem:s31+$0xFFFFFC40]  }
0x159: {  	v6 =	vld [tilespmem:s31+$0xFFFFFF40]  }
0x15a: {  	v0 =	vld.idx.msk [tilespmem:v0+s6+$0x0], $0xffff  }
0x15b: {  	v3 =	vld.idx.msk [tilespmem:v3+s6+$0x0], $0xffff  }
0x15c: {  	v4 =	vld.idx.msk [tilespmem:v4+s6+$0x0], $0xffff  }
0x15d: {  	v5 =	vld.idx.msk [tilespmem:v5+s6+$0x0], $0xffff  }
0x15e: {  	v7 =	vld.idx.msk [tilespmem:v7+s6+$0x0], $0xffff  }
0x15f: {  	v2 =	vld.idx.msk [tilespmem:v2+s6+$0x0], $0xffff  }
0x160: {  	[tilespmem:s25+$0x1B0] =	vst v0;
	v1 =	vld.idx.msk [tilespmem:v1+s6+$0x0], $0xffff  }
0x161: {  	[tilespmem:s25+$0xFFFFFEB0] =	vst v3;
	v3 =	vld.idx.msk [tilespmem:v6+s6+$0x0], $0xffff  }
0x162: {  	[tilespmem:s25+$0xFFFFFF30] =	vst v4;
	v0 =	vld [tilespmem:s31+$0xFFFFFFD0]  }
0x163: {  	[tilespmem:s25+$0xFFFFFFB0] =	vst v5;
	v4 =	vld [tilespmem:s31+$0xFFFFFCD0]  }
0x164: {  	[tilespmem:s25+$0x30] =	vst v7;
	v5 =	vld [tilespmem:s31+$0xFFFFFD50]  }
0x165: {  	v6 =	vld [tilespmem:s31+$0xFFFFFDD0];
	[tilespmem:s25+$0xB0] =	vst v2  }
0x166: {  	v2 =	vld [tilespmem:s31+$0xFFFFFE50];
	[tilespmem:s25+$0xFFFFFE30] =	vst v1  }
0x167: {  	[tilespmem:s25+$0x130] =	vst v3;
	v3 =	vld [tilespmem:s31+$0xFFFFFED0]  }
0x168: {  	v1 =	vld [tilespmem:s31+$0xFFFFFC50]  }
0x169: {  	v7 =	vld [tilespmem:s31+$0xFFFFFF50]  }
0x16a: {  	v0 =	vld.idx.msk [tilespmem:v0+s6+$0x0], $0xffff  }
0x16b: {  	v4 =	vld.idx.msk [tilespmem:v4+s6+$0x0], $0xffff  }
0x16c: {  	v5 =	vld.idx.msk [tilespmem:v5+s6+$0x0], $0xffff  }
0x16d: {  	v6 =	vld.idx.msk [tilespmem:v6+s6+$0x0], $0xffff  }
0x16e: {  	v2 =	vld.idx.msk [tilespmem:v2+s6+$0x0], $0xffff  }
0x16f: {  	v3 =	vld.idx.msk [tilespmem:v3+s6+$0x0], $0xffff  }
0x170: {  	[tilespmem:s25+$0x1C0] =	vst v0;
	v1 =	vld.idx.msk [tilespmem:v1+s6+$0x0], $0xffff  }
0x171: {  	[tilespmem:s25+$0xFFFFFEC0] =	vst v4;
	v4 =	vld.idx.msk [tilespmem:v7+s6+$0x0], $0xffff  }
0x172: {  	[tilespmem:s25+$0xFFFFFF40] =	vst v5;
	v0 =	vld [tilespmem:s31+$0xFFFFFFE0]  }
0x173: {  	[tilespmem:s25+$0xFFFFFFC0] =	vst v6;
	v5 =	vld [tilespmem:s31+$0xFFFFFCE0]  }
0x174: {  	v7 =	vld [tilespmem:s31+$0xFFFFFD60];
	[tilespmem:s25+$0x40] =	vst v2  }
0x175: {  	v2 =	vld [tilespmem:s31+$0xFFFFFDE0];
	[tilespmem:s25+$0xC0] =	vst v3  }
0x176: {  	v3 =	vld [tilespmem:s31+$0xFFFFFE60];
	[tilespmem:s25+$0xFFFFFE40] =	vst v1  }
0x177: {  	[tilespmem:s25+$0x140] =	vst v4;
	v4 =	vld [tilespmem:s31+$0xFFFFFEE0]  }
0x178: {  	v1 =	vld [tilespmem:s31+$0xFFFFFC60]  }
0x179: {  	v6 =	vld [tilespmem:s31+$0xFFFFFF60]  }
0x17a: {  	v0 =	vld.idx.msk [tilespmem:v0+s6+$0x0], $0xffff  }
0x17b: {  	v5 =	vld.idx.msk [tilespmem:v5+s6+$0x0], $0xffff  }
0x17c: {  	v7 =	vld.idx.msk [tilespmem:v7+s6+$0x0], $0xffff  }
0x17d: {  	v2 =	vld.idx.msk [tilespmem:v2+s6+$0x0], $0xffff  }
0x17e: {  	v3 =	vld.idx.msk [tilespmem:v3+s6+$0x0], $0xffff  }
0x17f: {  	v4 =	vld.idx.msk [tilespmem:v4+s6+$0x0], $0xffff  }
0x180: {  	[tilespmem:s25+$0x1D0] =	vst v0;
	v1 =	vld.idx.msk [tilespmem:v1+s6+$0x0], $0xffff  }
0x181: {  	[tilespmem:s25+$0xFFFFFED0] =	vst v5;
	v5 =	vld.idx.msk [tilespmem:v6+s6+$0x0], $0xffff  }
0x182: {  	[tilespmem:s25+$0xFFFFFF50] =	vst v7;
	v0 =	vld [tilespmem:s31+$0xFFFFFFF0]  }
0x183: {  	v6 =	vld [tilespmem:s31+$0xFFFFFCF0];
	[tilespmem:s25+$0xFFFFFFD0] =	vst v2  }
0x184: {  	v2 =	vld [tilespmem:s31+$0xFFFFFD70];
	[tilespmem:s25+$0x50] =	vst v3  }
0x185: {  	v3 =	vld [tilespmem:s31+$0xFFFFFDF0];
	[tilespmem:s25+$0xFFFFFE50] =	vst v1  }
0x186: {  	v1 =	vld [tilespmem:s31+$0xFFFFFC70]  }
0x187: {  	[tilespmem:s25+$0xD0] =	vst v4;
	v4 =	vld [tilespmem:s31+$0xFFFFFE70]  }
0x188: {  	[tilespmem:s25+$0x150] =	vst v5;
	v5 =	vld [tilespmem:s31+$0xFFFFFEF0]  }
0x189: {  	v7 =	vld [tilespmem:s31+$0xFFFFFF70]  }
0x18a: {  	v0 =	vld.idx.msk [tilespmem:v0+s6+$0x0], $0xffff  }
0x18b: {  	v6 =	vld.idx.msk [tilespmem:v6+s6+$0x0], $0xffff  }
0x18c: {  	v2 =	vld.idx.msk [tilespmem:v2+s6+$0x0], $0xffff  }
0x18d: {  	v3 =	vld.idx.msk [tilespmem:v3+s6+$0x0], $0xffff  }
0x18e: {  	v1 =	vld.idx.msk [tilespmem:v1+s6+$0x0], $0xffff  }
0x18f: {  	v4 =	vld.idx.msk [tilespmem:v4+s6+$0x0], $0xffff  }
0x190: {  	v5 =	vld.idx.msk [tilespmem:v5+s6+$0x0], $0xffff;
	[tilespmem:s25+$0x1E0] =	vst v0  }
0x191: {  	[tilespmem:s25+$0xFFFFFEE0] =	vst v6;
	v0 =	vld [tilespmem:s31+$0x0]  }
0x192: {  	v7 =	vld.idx.msk [tilespmem:v7+s6+$0x0], $0xffff;
	[tilespmem:s25+$0xFFFFFF60] =	vst v2  }
0x193: {  	v2 =	vld [tilespmem:s31+$0xFFFFFD00];
	[tilespmem:s25+$0xFFFFFE60] =	vst v1  }
0x194: {  	v1 =	vld [tilespmem:s31+$0xFFFFFC80]  }
0x195: {  	[tilespmem:s25+$0xFFFFFFE0] =	vst v3;
	v3 =	vld [tilespmem:s31+$0xFFFFFD80]  }
0x196: {  	v8 =	vld [tilespmem:s31+$0xFFFFFE00];
	[tilespmem:s25+$0xE0] =	vst v5  }
0x197: {  	[tilespmem:s25+$0x60] =	vst v4;
	v10 =	vld [tilespmem:s31+$0xFFFFFF00]  }
0x198: {  	v9 =	vld [tilespmem:s31+$0xFFFFFE80]  }
0x199: {  	[tilespmem:s25+$0x160] =	vst v7;
	v11 =	vld.idx.msk [tilespmem:v0+s6+$0x0], $0xffff  }
0x19a: {  	v0 =	vld [tilespmem:s31+$0xFFFFFF80]  }
0x19b: {  	v5 =	vld.idx.msk [tilespmem:v2+s6+$0x0], $0xffff  }
0x19c: {  	v6 =	vld.idx.msk [tilespmem:v1+s6+$0x0], $0xffff  }
0x19d: {  	v4 =	vld.idx.msk [tilespmem:v3+s6+$0x0], $0xffff  }
0x19e: {  	v3 =	vld.idx.msk [tilespmem:v8+s6+$0x0], $0xffff  }
0x19f: {  	v2 =	vld.idx.msk [tilespmem:v10+s6+$0x0], $0xffff  }
0x1a0: {  	s29 =	simm.s32 $0x19EF0;
	s26 =	simm.s32 $0x1D900;
	s28 =	simm.s32 $0x0;
	v1 =	vld.idx.msk [tilespmem:v9+s6+$0x0], $0xffff;
	[tilespmem:s25+$0x1F0] =	vst v11  }
.LBB2_5:
0x1a1: {  	v7 =	vld [tilespmem:s29+$0xFFFFFF90];
	s28 =	sadd.s32 $0x8, s28;
	[tilespmem:s25+$0xFFFFFE70] =	vst v6  }
0x1a2: {  	v6 =	vld [tilespmem:s29+$0xFFFFFC90];
	p0 =	slt.u32 s28, $0x18;
	[tilespmem:s25+$0xFFFFFEF0] =	vst v5  }
0x1a3: {  	v5 =	vld [tilespmem:s29+$0xFFFFFD10];
	[tilespmem:s25+$0xFFFFFF70] =	vst v4  }
0x1a4: {  	v4 =	vld [tilespmem:s29+$0xFFFFFD90];
	[tilespmem:s25+$0xFFFFFFF0] =	vst v3  }
0x1a5: {  	v3 =	vld [tilespmem:s29+$0xFFFFFE10];
	[tilespmem:s25+$0x70] =	vst v1  }
0x1a6: {  	v1 =	vld [tilespmem:s29+$0xFFFFFE90];
	[tilespmem:s25+$0xF0] =	vst v2  }
0x1a7: {  	v2 =	vld [tilespmem:s29+$0xFFFFFF10]  }
0x1a8: {  	v8 =	vld [tilespmem:s29+$0xFFFFFC10]  }
0x1a9: {  	v7 =	vld.idx.msk [tilespmem:v7+s6+$0x0], $0xffff  }
0x1aa: {  	v6 =	vld.idx.msk [tilespmem:v6+s6+$0x0], $0xffff  }
0x1ab: {  	v5 =	vld.idx.msk [tilespmem:v5+s6+$0x0], $0xffff  }
0x1ac: {  	v4 =	vld.idx.msk [tilespmem:v4+s6+$0x0], $0xffff  }
0x1ad: {  	v3 =	vld.idx.msk [tilespmem:v3+s6+$0x0], $0xffff  }
0x1ae: {  	s25 =	sadd.s32 $0x400, s25;
	v1 =	vld.idx.msk [tilespmem:v1+s6+$0x0], $0xffff  }
0x1af: {  	v2 =	vld.idx.msk [tilespmem:v2+s6+$0x0], $0xffff;
	[tilespmem:s25+$0x180] =	vst v7  }
0x1b0: {  	[tilespmem:s25+$0xFFFFFE80] =	vst v6;
	v6 =	vld [tilespmem:s29+$0xFFFFFFA0]  }
0x1b1: {  	v7 =	vld.idx.msk [tilespmem:v8+s6+$0x0], $0xffff;
	[tilespmem:s25+$0xFFFFFF00] =	vst v5  }
0x1b2: {  	v5 =	vld [tilespmem:s29+$0xFFFFFCA0];
	[tilespmem:s25+$0xFFFFFF80] =	vst v4  }
0x1b3: {  	v4 =	vld [tilespmem:s29+$0xFFFFFD20];
	[tilespmem:s25+$0x0] =	vst v3  }
0x1b4: {  	v3 =	vld [tilespmem:s29+$0xFFFFFDA0];
	[tilespmem:s25+$0x80] =	vst v1  }
0x1b5: {  	v1 =	vld [tilespmem:s29+$0xFFFFFE20];
	[tilespmem:s25+$0x100] =	vst v2  }
0x1b6: {  	v2 =	vld [tilespmem:s29+$0xFFFFFEA0]  }
0x1b7: {  	[tilespmem:s25+$0xFFFFFE00] =	vst v7;
	v7 =	vld [tilespmem:s29+$0xFFFFFF20]  }
0x1b8: {  	v6 =	vld.idx.msk [tilespmem:v6+s6+$0x0], $0xffff  }
0x1b9: {  	v8 =	vld [tilespmem:s29+$0xFFFFFC20]  }
0x1ba: {  	v5 =	vld.idx.msk [tilespmem:v5+s6+$0x0], $0xffff  }
0x1bb: {  	v4 =	vld.idx.msk [tilespmem:v4+s6+$0x0], $0xffff  }
0x1bc: {  	v3 =	vld.idx.msk [tilespmem:v3+s6+$0x0], $0xffff  }
0x1bd: {  	v1 =	vld.idx.msk [tilespmem:v1+s6+$0x0], $0xffff  }
0x1be: {  	v2 =	vld.idx.msk [tilespmem:v2+s6+$0x0], $0xffff;
	[tilespmem:s25+$0x190] =	vst v6  }
0x1bf: {  	v6 =	vld [tilespmem:s29+$0xFFFFFFB0]  }
0x1c0: {  	[tilespmem:s25+$0xFFFFFE90] =	vst v5;
	v5 =	vld.idx.msk [tilespmem:v7+s6+$0x0], $0xffff  }
0x1c1: {  	v7 =	vld.idx.msk [tilespmem:v8+s6+$0x0], $0xffff;
	[tilespmem:s25+$0xFFFFFF10] =	vst v4  }
0x1c2: {  	v4 =	vld [tilespmem:s29+$0xFFFFFCB0];
	[tilespmem:s25+$0xFFFFFF90] =	vst v3  }
0x1c3: {  	v3 =	vld [tilespmem:s29+$0xFFFFFD30];
	[tilespmem:s25+$0x10] =	vst v1  }
0x1c4: {  	v1 =	vld [tilespmem:s29+$0xFFFFFDB0];
	[tilespmem:s25+$0x90] =	vst v2  }
0x1c5: {  	v2 =	vld [tilespmem:s29+$0xFFFFFE30]  }
0x1c6: {  	v8 =	vld [tilespmem:s29+$0xFFFFFEB0];
	[tilespmem:s25+$0x110] =	vst v5  }
0x1c7: {  	[tilespmem:s25+$0xFFFFFE10] =	vst v7;
	v5 =	vld.idx.msk [tilespmem:v6+s6+$0x0], $0xffff  }
0x1c8: {  	v6 =	vld [tilespmem:s29+$0xFFFFFC30]  }
0x1c9: {  	v7 =	vld [tilespmem:s29+$0xFFFFFF30]  }
0x1ca: {  	v4 =	vld.idx.msk [tilespmem:v4+s6+$0x0], $0xffff  }
0x1cb: {  	v3 =	vld.idx.msk [tilespmem:v3+s6+$0x0], $0xffff  }
0x1cc: {  	v1 =	vld.idx.msk [tilespmem:v1+s6+$0x0], $0xffff  }
0x1cd: {  	v2 =	vld.idx.msk [tilespmem:v2+s6+$0x0], $0xffff;
	[tilespmem:s25+$0x1A0] =	vst v5  }
0x1ce: {  	v5 =	vld [tilespmem:s29+$0xFFFFFFC0]  }
0x1cf: {  	v8 =	vld.idx.msk [tilespmem:v8+s6+$0x0], $0xffff  }
0x1d0: {  	v6 =	vld.idx.msk [tilespmem:v6+s6+$0x0], $0xffff;
	[tilespmem:s25+$0xFFFFFEA0] =	vst v4  }
0x1d1: {  	[tilespmem:s25+$0xFFFFFF20] =	vst v3;
	v3 =	vld.idx.msk [tilespmem:v7+s6+$0x0], $0xffff  }
0x1d2: {  	v4 =	vld [tilespmem:s29+$0xFFFFFCC0];
	[tilespmem:s25+$0xFFFFFFA0] =	vst v1  }
0x1d3: {  	v1 =	vld [tilespmem:s29+$0xFFFFFD40];
	[tilespmem:s25+$0x20] =	vst v2  }
0x1d4: {  	v2 =	vld [tilespmem:s29+$0xFFFFFDC0]  }
0x1d5: {  	v7 =	vld [tilespmem:s29+$0xFFFFFE40];
	[tilespmem:s25+$0xA0] =	vst v8  }
0x1d6: {  	[tilespmem:s25+$0xFFFFFE20] =	vst v6;
	v5 =	vld.idx.msk [tilespmem:v5+s6+$0x0], $0xffff  }
0x1d7: {  	v6 =	vld [tilespmem:s29+$0xFFFFFC40];
	[tilespmem:s25+$0x120] =	vst v3  }
0x1d8: {  	v3 =	vld [tilespmem:s29+$0xFFFFFEC0]  }
0x1d9: {  	v8 =	vld [tilespmem:s29+$0xFFFFFF40]  }
0x1da: {  	v4 =	vld.idx.msk [tilespmem:v4+s6+$0x0], $0xffff  }
0x1db: {  	v1 =	vld.idx.msk [tilespmem:v1+s6+$0x0], $0xffff  }
0x1dc: {  	v2 =	vld.idx.msk [tilespmem:v2+s6+$0x0], $0xffff;
	[tilespmem:s25+$0x1B0] =	vst v5  }
0x1dd: {  	v5 =	vld [tilespmem:s29+$0xFFFFFFD0]  }
0x1de: {  	v7 =	vld.idx.msk [tilespmem:v7+s6+$0x0], $0xffff  }
0x1df: {  	v6 =	vld.idx.msk [tilespmem:v6+s6+$0x0], $0xffff  }
0x1e0: {  	[tilespmem:s25+$0xFFFFFEB0] =	vst v4;
	v3 =	vld.idx.msk [tilespmem:v3+s6+$0x0], $0xffff  }
0x1e1: {  	[tilespmem:s25+$0xFFFFFF30] =	vst v1;
	v1 =	vld.idx.msk [tilespmem:v8+s6+$0x0], $0xffff  }
0x1e2: {  	v4 =	vld [tilespmem:s29+$0xFFFFFCD0];
	[tilespmem:s25+$0xFFFFFFB0] =	vst v2  }
0x1e3: {  	v2 =	vld [tilespmem:s29+$0xFFFFFD50]  }
0x1e4: {  	v8 =	vld [tilespmem:s29+$0xFFFFFDD0];
	[tilespmem:s25+$0x30] =	vst v7  }
0x1e5: {  	[tilespmem:s25+$0xFFFFFE30] =	vst v6;
	v5 =	vld.idx.msk [tilespmem:v5+s6+$0x0], $0xffff  }
0x1e6: {  	v6 =	vld [tilespmem:s29+$0xFFFFFC50];
	[tilespmem:s25+$0xB0] =	vst v3  }
0x1e7: {  	v3 =	vld [tilespmem:s29+$0xFFFFFE50];
	[tilespmem:s25+$0x130] =	vst v1  }
0x1e8: {  	v1 =	vld [tilespmem:s29+$0xFFFFFED0]  }
0x1e9: {  	v7 =	vld [tilespmem:s29+$0xFFFFFF50]  }
0x1ea: {  	v4 =	vld.idx.msk [tilespmem:v4+s6+$0x0], $0xffff  }
0x1eb: {  	v2 =	vld.idx.msk [tilespmem:v2+s6+$0x0], $0xffff;
	[tilespmem:s25+$0x1C0] =	vst v5  }
0x1ec: {  	v5 =	vld [tilespmem:s29+$0xFFFFFFE0]  }
0x1ed: {  	v8 =	vld.idx.msk [tilespmem:v8+s6+$0x0], $0xffff  }
0x1ee: {  	v6 =	vld.idx.msk [tilespmem:v6+s6+$0x0], $0xffff  }
0x1ef: {  	v3 =	vld.idx.msk [tilespmem:v3+s6+$0x0], $0xffff  }
0x1f0: {  	[tilespmem:s25+$0xFFFFFEC0] =	vst v4;
	v1 =	vld.idx.msk [tilespmem:v1+s6+$0x0], $0xffff  }
0x1f1: {  	[tilespmem:s25+$0xFFFFFF40] =	vst v2;
	v2 =	vld.idx.msk [tilespmem:v7+s6+$0x0], $0xffff  }
0x1f2: {  	v4 =	vld [tilespmem:s29+$0xFFFFFCE0]  }
0x1f3: {  	v7 =	vld [tilespmem:s29+$0xFFFFFD60];
	[tilespmem:s25+$0xFFFFFFC0] =	vst v8  }
0x1f4: {  	[tilespmem:s25+$0xFFFFFE40] =	vst v6;
	v5 =	vld.idx.msk [tilespmem:v5+s6+$0x0], $0xffff  }
0x1f5: {  	v6 =	vld [tilespmem:s29+$0xFFFFFC60];
	[tilespmem:s25+$0x40] =	vst v3  }
0x1f6: {  	v3 =	vld [tilespmem:s29+$0xFFFFFDE0];
	[tilespmem:s25+$0xC0] =	vst v1  }
0x1f7: {  	v1 =	vld [tilespmem:s29+$0xFFFFFE60];
	[tilespmem:s25+$0x140] =	vst v2  }
0x1f8: {  	v2 =	vld [tilespmem:s29+$0xFFFFFEE0]  }
0x1f9: {  	v8 =	vld [tilespmem:s29+$0xFFFFFF60]  }
0x1fa: {  	v4 =	vld.idx.msk [tilespmem:v4+s6+$0x0], $0xffff;
	[tilespmem:s25+$0x1D0] =	vst v5  }
0x1fb: {  	v5 =	vld [tilespmem:s29+$0xFFFFFFF0]  }
0x1fc: {  	v7 =	vld.idx.msk [tilespmem:v7+s6+$0x0], $0xffff  }
0x1fd: {  	v6 =	vld.idx.msk [tilespmem:v6+s6+$0x0], $0xffff  }
0x1fe: {  	v3 =	vld.idx.msk [tilespmem:v3+s6+$0x0], $0xffff  }
0x1ff: {  	v1 =	vld.idx.msk [tilespmem:v1+s6+$0x0], $0xffff  }
0x200: {  	[tilespmem:s25+$0xFFFFFED0] =	vst v4;
	v2 =	vld.idx.msk [tilespmem:v2+s6+$0x0], $0xffff  }
0x201: {  	v4 =	vld.idx.msk [tilespmem:v8+s6+$0x0], $0xffff  }
0x202: {  	v8 =	vld [tilespmem:s29+$0xFFFFFCF0];
	[tilespmem:s25+$0xFFFFFF50] =	vst v7  }
0x203: {  	[tilespmem:s25+$0xFFFFFE50] =	vst v6;
	v5 =	vld.idx.msk [tilespmem:v5+s6+$0x0], $0xffff  }
0x204: {  	v6 =	vld [tilespmem:s29+$0xFFFFFC70];
	[tilespmem:s25+$0xFFFFFFD0] =	vst v3  }
0x205: {  	v3 =	vld [tilespmem:s29+$0xFFFFFD70];
	[tilespmem:s25+$0x50] =	vst v1  }
0x206: {  	v1 =	vld [tilespmem:s29+$0xFFFFFDF0];
	[tilespmem:s25+$0xD0] =	vst v2  }
0x207: {  	v2 =	vld [tilespmem:s29+$0xFFFFFE70];
	[tilespmem:s25+$0x150] =	vst v4  }
0x208: {  	v4 =	vld [tilespmem:s29+$0xFFFFFEF0]  }
0x209: {  	v7 =	vld [tilespmem:s29+$0xFFFFFF70];
	[tilespmem:s25+$0x1E0] =	vst v5  }
0x20a: {  	v5 =	vld [tilespmem:s29+$0x0]  }
0x20b: {  	v8 =	vld.idx.msk [tilespmem:v8+s6+$0x0], $0xffff  }
0x20c: {  	v6 =	vld.idx.msk [tilespmem:v6+s6+$0x0], $0xffff  }
0x20d: {  	v3 =	vld.idx.msk [tilespmem:v3+s6+$0x0], $0xffff  }
0x20e: {  	v1 =	vld.idx.msk [tilespmem:v1+s6+$0x0], $0xffff  }
0x20f: {  	v2 =	vld.idx.msk [tilespmem:v2+s6+$0x0], $0xffff  }
0x210: {  	v4 =	vld.idx.msk [tilespmem:v4+s6+$0x0], $0xffff  }
0x211: {  	[tilespmem:s25+$0xFFFFFEE0] =	vst v8;
	v7 =	vld.idx.msk [tilespmem:v7+s6+$0x0], $0xffff  }
0x212: {  	[tilespmem:s25+$0xFFFFFE60] =	vst v6;
	v5 =	vld.idx.msk [tilespmem:v5+s6+$0x0], $0xffff  }
0x213: {  	v6 =	vld [tilespmem:s29+$0xFFFFFC80];
	[tilespmem:s25+$0xFFFFFF60] =	vst v3  }
0x214: {  	v3 =	vld [tilespmem:s29+$0xFFFFFD00];
	[tilespmem:s25+$0xFFFFFFE0] =	vst v1  }
0x215: {  	v1 =	vld [tilespmem:s29+$0xFFFFFD80];
	[tilespmem:s25+$0x60] =	vst v2  }
0x216: {  	v2 =	vld [tilespmem:s29+$0xFFFFFE00];
	[tilespmem:s25+$0xE0] =	vst v4  }
0x217: {  	v8 =	vld [tilespmem:s29+$0xFFFFFE80];
	[tilespmem:s25+$0x160] =	vst v7  }
0x218: {  	v7 =	vld [tilespmem:s29+$0xFFFFFF00];
	[tilespmem:s25+$0x1F0] =	vst v5  }
0x219: {  	v9 =	vld [tilespmem:s29+$0xFFFFFF80]  }
0x21a: {  	v10 =	vld.idx.msk [tilespmem:v0+s6+$0x0], $0xffff  }
0x21b: {  	v6 =	vld.idx.msk [tilespmem:v6+s6+$0x0], $0xffff  }
.Ltmp1:
0x21c: {  	v5 =	vld.idx.msk [tilespmem:v3+s6+$0x0], $0xffff;
	(pc) =	sbr.rel @p0 .LBB2_5-.Ltmp1, $4  }
0x21d: {  	v4 =	vld.idx.msk [tilespmem:v1+s6+$0x0], $0xffff  }
0x21e: {  	v3 =	vld.idx.msk [tilespmem:v2+s6+$0x0], $0xffff;
	v0 =	vmov v9  }
0x21f: {  	v1 =	vld.idx.msk [tilespmem:v8+s6+$0x0], $0xffff  }
0x220: {  	s29 =	sadd.s32 $0x400, s29;
	v2 =	vld.idx.msk [tilespmem:v7+s6+$0x0], $0xffff;
	[tilespmem:s26+$0x170] =	vst v10;
	s26 =	smov.u32 s25  }
0x221: {  	_ =	sdelay $0x2  }
0x222: {  	[tilespmem:s25+$0xFFFFFE70] =	vst v6  }
0x223: {  	[tilespmem:s25+$0xFFFFFEF0] =	vst v5;
	v0 =	vld.idx.msk [tilespmem:v0+s6+$0x0], $0xffff  }
0x224: {  	s23 =	sor.u32 s23, s24;
	[tilespmem:s25+$0xFFFFFF70] =	vst v4  }
0x225: {  	s22 =	sadd.s32 s23, s22;
	[tilespmem:s25+$0xFFFFFFF0] =	vst v3  }
0x226: {  	s23 =	sadd.s32 $0x8000, s22;
	[tilespmem:s25+$0x70] =	vst v1  }
0x227: {  	s23 =	sshrl.u32 s23, $0x3;
	[tilespmem:s25+$0xF0] =	vst v2  }
0x228: {  	s23 =	sadd.s32 s4, s23;
	[tilespmem:s26+$0x170] =	vst v0  }
0x229: {  	[hbm4b:s23+s10] =	stream.strided.scatter [tilespmem:s16], [sflag:$0x4], $0x1000, s11, s10, $0x38;
	[tilespmem:$0x1E700] =	vst v63  }
0x22a: {  	_ =	swait.ge [sflag:s17], $0x1000  }
0x22b: {  	[sflag:s17] =	ssyncset.done $0x0  }
0x22c: {  	s31 =	simm.s32 $0x1AAF0;
	[sflag:s17] =	ssyncadd.s32 $0xFFFFF000  }
0x22d: {  	v0 =	vld [tilespmem:s31+$0xFFFFFF90]  }
0x22e: {  	v1 =	vld [tilespmem:s31+$0xFFFFFC90]  }
0x22f: {  	v2 =	vld [tilespmem:s31+$0xFFFFFD10]  }
0x230: {  	v3 =	vld [tilespmem:s31+$0xFFFFFD90]  }
0x231: {  	v4 =	vld [tilespmem:s31+$0xFFFFFE10]  }
0x232: {  	v5 =	vld [tilespmem:s31+$0xFFFFFE90]  }
0x233: {  	v6 =	vld [tilespmem:s31+$0xFFFFFF10]  }
0x234: {  	v7 =	vld [tilespmem:s31+$0xFFFFFC10]  }
0x235: {  	v0 =	vld.idx.msk [tilespmem:v0+s6+$0x0], $0xffff  }
0x236: {  	v1 =	vld.idx.msk [tilespmem:v1+s6+$0x0], $0xffff  }
0x237: {  	v2 =	vld.idx.msk [tilespmem:v2+s6+$0x0], $0xffff  }
0x238: {  	v3 =	vld.idx.msk [tilespmem:v3+s6+$0x0], $0xffff  }
0x239: {  	v4 =	vld.idx.msk [tilespmem:v4+s6+$0x0], $0xffff  }
0x23a: {  	s23 =	simm.s32 $0x1C900;
	v5 =	vld.idx.msk [tilespmem:v5+s6+$0x0], $0xffff  }
0x23b: {  	v6 =	vld.idx.msk [tilespmem:v6+s6+$0x0], $0xffff;
	[tilespmem:s23+$0x180] =	vst v0  }
0x23c: {  	[tilespmem:s23+$0xFFFFFE80] =	vst v1;
	v1 =	vld.idx.msk [tilespmem:v7+s6+$0x0], $0xffff  }
0x23d: {  	v0 =	vld [tilespmem:s31+$0xFFFFFFA0]  }
0x23e: {  	[tilespmem:s23+$0xFFFFFF00] =	vst v2;
	v2 =	vld [tilespmem:s31+$0xFFFFFCA0]  }
0x23f: {  	[tilespmem:s23+$0xFFFFFF80] =	vst v3;
	v3 =	vld [tilespmem:s31+$0xFFFFFD20]  }
0x240: {  	[tilespmem:s23+$0x0] =	vst v4;
	v4 =	vld [tilespmem:s31+$0xFFFFFDA0]  }
0x241: {  	[tilespmem:s23+$0x80] =	vst v5;
	v5 =	vld [tilespmem:s31+$0xFFFFFE20]  }
0x242: {  	[tilespmem:s23+$0x100] =	vst v6;
	v6 =	vld [tilespmem:s31+$0xFFFFFEA0]  }
0x243: {  	v7 =	vld [tilespmem:s31+$0xFFFFFF20];
	[tilespmem:s23+$0xFFFFFE00] =	vst v1  }
0x244: {  	v1 =	vld [tilespmem:s31+$0xFFFFFC20]  }
0x245: {  	v0 =	vld.idx.msk [tilespmem:v0+s6+$0x0], $0xffff  }
0x246: {  	v2 =	vld.idx.msk [tilespmem:v2+s6+$0x0], $0xffff  }
0x247: {  	v3 =	vld.idx.msk [tilespmem:v3+s6+$0x0], $0xffff  }
0x248: {  	v4 =	vld.idx.msk [tilespmem:v4+s6+$0x0], $0xffff  }
0x249: {  	v5 =	vld.idx.msk [tilespmem:v5+s6+$0x0], $0xffff  }
0x24a: {  	v6 =	vld.idx.msk [tilespmem:v6+s6+$0x0], $0xffff  }
0x24b: {  	v7 =	vld.idx.msk [tilespmem:v7+s6+$0x0], $0xffff  }
0x24c: {  	[tilespmem:s23+$0x190] =	vst v0;
	v1 =	vld.idx.msk [tilespmem:v1+s6+$0x0], $0xffff  }
0x24d: {  	[tilespmem:s23+$0xFFFFFE90] =	vst v2;
	v0 =	vld [tilespmem:s31+$0xFFFFFFB0]  }
0x24e: {  	[tilespmem:s23+$0xFFFFFF10] =	vst v3;
	v2 =	vld [tilespmem:s31+$0xFFFFFCB0]  }
0x24f: {  	[tilespmem:s23+$0xFFFFFF90] =	vst v4;
	v3 =	vld [tilespmem:s31+$0xFFFFFD30]  }
0x250: {  	[tilespmem:s23+$0x10] =	vst v5;
	v4 =	vld [tilespmem:s31+$0xFFFFFDB0]  }
0x251: {  	[tilespmem:s23+$0x90] =	vst v6;
	v5 =	vld [tilespmem:s31+$0xFFFFFE30]  }
0x252: {  	v6 =	vld [tilespmem:s31+$0xFFFFFEB0];
	[tilespmem:s23+$0xFFFFFE10] =	vst v1  }
0x253: {  	[tilespmem:s23+$0x110] =	vst v7;
	v1 =	vld [tilespmem:s31+$0xFFFFFC30]  }
0x254: {  	v7 =	vld [tilespmem:s31+$0xFFFFFF30]  }
0x255: {  	v0 =	vld.idx.msk [tilespmem:v0+s6+$0x0], $0xffff  }
0x256: {  	v2 =	vld.idx.msk [tilespmem:v2+s6+$0x0], $0xffff  }
0x257: {  	v3 =	vld.idx.msk [tilespmem:v3+s6+$0x0], $0xffff  }
0x258: {  	v4 =	vld.idx.msk [tilespmem:v4+s6+$0x0], $0xffff  }
0x259: {  	v5 =	vld.idx.msk [tilespmem:v5+s6+$0x0], $0xffff  }
0x25a: {  	v6 =	vld.idx.msk [tilespmem:v6+s6+$0x0], $0xffff  }
0x25b: {  	[tilespmem:s23+$0x1A0] =	vst v0;
	v1 =	vld.idx.msk [tilespmem:v1+s6+$0x0], $0xffff  }
0x25c: {  	[tilespmem:s23+$0xFFFFFEA0] =	vst v2;
	v2 =	vld.idx.msk [tilespmem:v7+s6+$0x0], $0xffff  }
0x25d: {  	[tilespmem:s23+$0xFFFFFF20] =	vst v3;
	v0 =	vld [tilespmem:s31+$0xFFFFFFC0]  }
0x25e: {  	[tilespmem:s23+$0xFFFFFFA0] =	vst v4;
	v3 =	vld [tilespmem:s31+$0xFFFFFCC0]  }
0x25f: {  	[tilespmem:s23+$0x20] =	vst v5;
	v4 =	vld [tilespmem:s31+$0xFFFFFD40]  }
0x260: {  	[tilespmem:s23+$0xA0] =	vst v6;
	v5 =	vld [tilespmem:s31+$0xFFFFFDC0]  }
0x261: {  	v7 =	vld [tilespmem:s31+$0xFFFFFE40];
	[tilespmem:s23+$0xFFFFFE20] =	vst v1  }
0x262: {  	[tilespmem:s23+$0x120] =	vst v2;
	v2 =	vld [tilespmem:s31+$0xFFFFFEC0]  }
0x263: {  	v1 =	vld [tilespmem:s31+$0xFFFFFC40]  }
0x264: {  	v6 =	vld [tilespmem:s31+$0xFFFFFF40]  }
0x265: {  	v0 =	vld.idx.msk [tilespmem:v0+s6+$0x0], $0xffff  }
0x266: {  	v3 =	vld.idx.msk [tilespmem:v3+s6+$0x0], $0xffff  }
0x267: {  	v4 =	vld.idx.msk [tilespmem:v4+s6+$0x0], $0xffff  }
0x268: {  	v5 =	vld.idx.msk [tilespmem:v5+s6+$0x0], $0xffff  }
0x269: {  	v7 =	vld.idx.msk [tilespmem:v7+s6+$0x0], $0xffff  }
0x26a: {  	v2 =	vld.idx.msk [tilespmem:v2+s6+$0x0], $0xffff  }
0x26b: {  	[tilespmem:s23+$0x1B0] =	vst v0;
	v1 =	vld.idx.msk [tilespmem:v1+s6+$0x0], $0xffff  }
0x26c: {  	[tilespmem:s23+$0xFFFFFEB0] =	vst v3;
	v3 =	vld.idx.msk [tilespmem:v6+s6+$0x0], $0xffff  }
0x26d: {  	[tilespmem:s23+$0xFFFFFF30] =	vst v4;
	v0 =	vld [tilespmem:s31+$0xFFFFFFD0]  }
0x26e: {  	[tilespmem:s23+$0xFFFFFFB0] =	vst v5;
	v4 =	vld [tilespmem:s31+$0xFFFFFCD0]  }
0x26f: {  	[tilespmem:s23+$0x30] =	vst v7;
	v5 =	vld [tilespmem:s31+$0xFFFFFD50]  }
0x270: {  	v6 =	vld [tilespmem:s31+$0xFFFFFDD0];
	[tilespmem:s23+$0xB0] =	vst v2  }
0x271: {  	v2 =	vld [tilespmem:s31+$0xFFFFFE50];
	[tilespmem:s23+$0xFFFFFE30] =	vst v1  }
0x272: {  	[tilespmem:s23+$0x130] =	vst v3;
	v3 =	vld [tilespmem:s31+$0xFFFFFED0]  }
0x273: {  	v1 =	vld [tilespmem:s31+$0xFFFFFC50]  }
0x274: {  	v7 =	vld [tilespmem:s31+$0xFFFFFF50]  }
0x275: {  	v0 =	vld.idx.msk [tilespmem:v0+s6+$0x0], $0xffff  }
0x276: {  	v4 =	vld.idx.msk [tilespmem:v4+s6+$0x0], $0xffff  }
0x277: {  	v5 =	vld.idx.msk [tilespmem:v5+s6+$0x0], $0xffff  }
0x278: {  	v6 =	vld.idx.msk [tilespmem:v6+s6+$0x0], $0xffff  }
0x279: {  	v2 =	vld.idx.msk [tilespmem:v2+s6+$0x0], $0xffff  }
0x27a: {  	v3 =	vld.idx.msk [tilespmem:v3+s6+$0x0], $0xffff  }
0x27b: {  	[tilespmem:s23+$0x1C0] =	vst v0;
	v1 =	vld.idx.msk [tilespmem:v1+s6+$0x0], $0xffff  }
0x27c: {  	[tilespmem:s23+$0xFFFFFEC0] =	vst v4;
	v4 =	vld.idx.msk [tilespmem:v7+s6+$0x0], $0xffff  }
0x27d: {  	[tilespmem:s23+$0xFFFFFF40] =	vst v5;
	v0 =	vld [tilespmem:s31+$0xFFFFFFE0]  }
0x27e: {  	[tilespmem:s23+$0xFFFFFFC0] =	vst v6;
	v5 =	vld [tilespmem:s31+$0xFFFFFCE0]  }
0x27f: {  	v7 =	vld [tilespmem:s31+$0xFFFFFD60];
	[tilespmem:s23+$0x40] =	vst v2  }
0x280: {  	v2 =	vld [tilespmem:s31+$0xFFFFFDE0];
	[tilespmem:s23+$0xC0] =	vst v3  }
0x281: {  	v3 =	vld [tilespmem:s31+$0xFFFFFE60];
	[tilespmem:s23+$0xFFFFFE40] =	vst v1  }
0x282: {  	[tilespmem:s23+$0x140] =	vst v4;
	v4 =	vld [tilespmem:s31+$0xFFFFFEE0]  }
0x283: {  	v1 =	vld [tilespmem:s31+$0xFFFFFC60]  }
0x284: {  	v6 =	vld [tilespmem:s31+$0xFFFFFF60]  }
0x285: {  	v0 =	vld.idx.msk [tilespmem:v0+s6+$0x0], $0xffff  }
0x286: {  	v5 =	vld.idx.msk [tilespmem:v5+s6+$0x0], $0xffff  }
0x287: {  	v7 =	vld.idx.msk [tilespmem:v7+s6+$0x0], $0xffff  }
0x288: {  	v2 =	vld.idx.msk [tilespmem:v2+s6+$0x0], $0xffff  }
0x289: {  	v3 =	vld.idx.msk [tilespmem:v3+s6+$0x0], $0xffff  }
0x28a: {  	v4 =	vld.idx.msk [tilespmem:v4+s6+$0x0], $0xffff  }
0x28b: {  	[tilespmem:s23+$0x1D0] =	vst v0;
	v1 =	vld.idx.msk [tilespmem:v1+s6+$0x0], $0xffff  }
0x28c: {  	[tilespmem:s23+$0xFFFFFED0] =	vst v5;
	v5 =	vld.idx.msk [tilespmem:v6+s6+$0x0], $0xffff  }
0x28d: {  	[tilespmem:s23+$0xFFFFFF50] =	vst v7;
	v0 =	vld [tilespmem:s31+$0xFFFFFFF0]  }
0x28e: {  	v6 =	vld [tilespmem:s31+$0xFFFFFCF0];
	[tilespmem:s23+$0xFFFFFFD0] =	vst v2  }
0x28f: {  	v2 =	vld [tilespmem:s31+$0xFFFFFD70];
	[tilespmem:s23+$0x50] =	vst v3  }
0x290: {  	v3 =	vld [tilespmem:s31+$0xFFFFFDF0];
	[tilespmem:s23+$0xFFFFFE50] =	vst v1  }
0x291: {  	v1 =	vld [tilespmem:s31+$0xFFFFFC70]  }
0x292: {  	[tilespmem:s23+$0xD0] =	vst v4;
	v4 =	vld [tilespmem:s31+$0xFFFFFE70]  }
0x293: {  	[tilespmem:s23+$0x150] =	vst v5;
	v5 =	vld [tilespmem:s31+$0xFFFFFEF0]  }
0x294: {  	v7 =	vld [tilespmem:s31+$0xFFFFFF70]  }
0x295: {  	v0 =	vld.idx.msk [tilespmem:v0+s6+$0x0], $0xffff  }
0x296: {  	v6 =	vld.idx.msk [tilespmem:v6+s6+$0x0], $0xffff  }
0x297: {  	v2 =	vld.idx.msk [tilespmem:v2+s6+$0x0], $0xffff  }
0x298: {  	v3 =	vld.idx.msk [tilespmem:v3+s6+$0x0], $0xffff  }
0x299: {  	v1 =	vld.idx.msk [tilespmem:v1+s6+$0x0], $0xffff  }
0x29a: {  	v4 =	vld.idx.msk [tilespmem:v4+s6+$0x0], $0xffff  }
0x29b: {  	v5 =	vld.idx.msk [tilespmem:v5+s6+$0x0], $0xffff;
	[tilespmem:s23+$0x1E0] =	vst v0  }
0x29c: {  	[tilespmem:s23+$0xFFFFFEE0] =	vst v6;
	v0 =	vld [tilespmem:s31+$0x0]  }
0x29d: {  	v7 =	vld.idx.msk [tilespmem:v7+s6+$0x0], $0xffff;
	[tilespmem:s23+$0xFFFFFF60] =	vst v2  }
0x29e: {  	v2 =	vld [tilespmem:s31+$0xFFFFFD00];
	[tilespmem:s23+$0xFFFFFE60] =	vst v1  }
0x29f: {  	[tilespmem:s23+$0xFFFFFFE0] =	vst v3;
	v1 =	vld [tilespmem:s31+$0xFFFFFC80]  }
0x2a0: {  	v3 =	vld [tilespmem:s31+$0xFFFFFD80];
	[tilespmem:s23+$0x60] =	vst v4  }
0x2a1: {  	v9 =	vld [tilespmem:s31+$0xFFFFFE80]  }
0x2a2: {  	v8 =	vld [tilespmem:s31+$0xFFFFFE00];
	[tilespmem:s23+$0xE0] =	vst v5  }
0x2a3: {  	v10 =	vld [tilespmem:s31+$0xFFFFFF00]  }
0x2a4: {  	[tilespmem:s23+$0x160] =	vst v7;
	v11 =	vld.idx.msk [tilespmem:v0+s6+$0x0], $0xffff  }
0x2a5: {  	v0 =	vld [tilespmem:s31+$0xFFFFFF80]  }
0x2a6: {  	v5 =	vld.idx.msk [tilespmem:v2+s6+$0x0], $0xffff  }
0x2a7: {  	v6 =	vld.idx.msk [tilespmem:v1+s6+$0x0], $0xffff  }
0x2a8: {  	v4 =	vld.idx.msk [tilespmem:v3+s6+$0x0], $0xffff  }
0x2a9: {  	v2 =	vld.idx.msk [tilespmem:v9+s6+$0x0], $0xffff  }
0x2aa: {  	v1 =	vld.idx.msk [tilespmem:v8+s6+$0x0], $0xffff  }
0x2ab: {  	s24 =	simm.s32 $0x1C900;
	s25 =	simm.s32 $0x0;
	s26 =	simm.s32 $0x1AEF0;
	v3 =	vld.idx.msk [tilespmem:v10+s6+$0x0], $0xffff;
	[tilespmem:s23+$0x1F0] =	vst v11  }
.LBB2_7:
0x2ac: {  	v7 =	vld [tilespmem:s26+$0xFFFFFF90];
	s25 =	sadd.s32 $0x8, s25;
	[tilespmem:s23+$0xFFFFFE70] =	vst v6  }
0x2ad: {  	v6 =	vld [tilespmem:s26+$0xFFFFFC90];
	p0 =	slt.u32 s25, $0x18;
	[tilespmem:s23+$0xFFFFFEF0] =	vst v5  }
0x2ae: {  	v5 =	vld [tilespmem:s26+$0xFFFFFD10];
	[tilespmem:s23+$0xFFFFFF70] =	vst v4  }
0x2af: {  	v4 =	vld [tilespmem:s26+$0xFFFFFD90];
	[tilespmem:s23+$0xFFFFFFF0] =	vst v1  }
0x2b0: {  	v1 =	vld [tilespmem:s26+$0xFFFFFE10];
	[tilespmem:s23+$0x70] =	vst v2  }
0x2b1: {  	v2 =	vld [tilespmem:s26+$0xFFFFFE90];
	[tilespmem:s23+$0xF0] =	vst v3  }
0x2b2: {  	v3 =	vld [tilespmem:s26+$0xFFFFFF10]  }
0x2b3: {  	v8 =	vld [tilespmem:s26+$0xFFFFFC10]  }
0x2b4: {  	v7 =	vld.idx.msk [tilespmem:v7+s6+$0x0], $0xffff  }
0x2b5: {  	v6 =	vld.idx.msk [tilespmem:v6+s6+$0x0], $0xffff  }
0x2b6: {  	v5 =	vld.idx.msk [tilespmem:v5+s6+$0x0], $0xffff  }
0x2b7: {  	v4 =	vld.idx.msk [tilespmem:v4+s6+$0x0], $0xffff  }
0x2b8: {  	v1 =	vld.idx.msk [tilespmem:v1+s6+$0x0], $0xffff  }
0x2b9: {  	s23 =	sadd.s32 $0x400, s23;
	v2 =	vld.idx.msk [tilespmem:v2+s6+$0x0], $0xffff  }
0x2ba: {  	v3 =	vld.idx.msk [tilespmem:v3+s6+$0x0], $0xffff;
	[tilespmem:s23+$0x180] =	vst v7  }
0x2bb: {  	[tilespmem:s23+$0xFFFFFE80] =	vst v6;
	v6 =	vld [tilespmem:s26+$0xFFFFFFA0]  }
0x2bc: {  	v7 =	vld.idx.msk [tilespmem:v8+s6+$0x0], $0xffff;
	[tilespmem:s23+$0xFFFFFF00] =	vst v5  }
0x2bd: {  	v5 =	vld [tilespmem:s26+$0xFFFFFCA0];
	[tilespmem:s23+$0xFFFFFF80] =	vst v4  }
0x2be: {  	v4 =	vld [tilespmem:s26+$0xFFFFFD20];
	[tilespmem:s23+$0x0] =	vst v1  }
0x2bf: {  	v1 =	vld [tilespmem:s26+$0xFFFFFDA0];
	[tilespmem:s23+$0x80] =	vst v2  }
0x2c0: {  	v2 =	vld [tilespmem:s26+$0xFFFFFE20];
	[tilespmem:s23+$0x100] =	vst v3  }
0x2c1: {  	v3 =	vld [tilespmem:s26+$0xFFFFFEA0]  }
0x2c2: {  	[tilespmem:s23+$0xFFFFFE00] =	vst v7;
	v7 =	vld [tilespmem:s26+$0xFFFFFF20]  }
0x2c3: {  	v6 =	vld.idx.msk [tilespmem:v6+s6+$0x0], $0xffff  }
0x2c4: {  	v8 =	vld [tilespmem:s26+$0xFFFFFC20]  }
0x2c5: {  	v5 =	vld.idx.msk [tilespmem:v5+s6+$0x0], $0xffff  }
0x2c6: {  	v4 =	vld.idx.msk [tilespmem:v4+s6+$0x0], $0xffff  }
0x2c7: {  	v1 =	vld.idx.msk [tilespmem:v1+s6+$0x0], $0xffff  }
0x2c8: {  	v2 =	vld.idx.msk [tilespmem:v2+s6+$0x0], $0xffff  }
0x2c9: {  	v3 =	vld.idx.msk [tilespmem:v3+s6+$0x0], $0xffff;
	[tilespmem:s23+$0x190] =	vst v6  }
0x2ca: {  	v6 =	vld [tilespmem:s26+$0xFFFFFFB0]  }
0x2cb: {  	[tilespmem:s23+$0xFFFFFE90] =	vst v5;
	v5 =	vld.idx.msk [tilespmem:v7+s6+$0x0], $0xffff  }
0x2cc: {  	v7 =	vld.idx.msk [tilespmem:v8+s6+$0x0], $0xffff;
	[tilespmem:s23+$0xFFFFFF10] =	vst v4  }
0x2cd: {  	v4 =	vld [tilespmem:s26+$0xFFFFFCB0];
	[tilespmem:s23+$0xFFFFFF90] =	vst v1  }
0x2ce: {  	v1 =	vld [tilespmem:s26+$0xFFFFFD30];
	[tilespmem:s23+$0x10] =	vst v2  }
0x2cf: {  	v2 =	vld [tilespmem:s26+$0xFFFFFDB0];
	[tilespmem:s23+$0x90] =	vst v3  }
0x2d0: {  	v3 =	vld [tilespmem:s26+$0xFFFFFE30]  }
0x2d1: {  	v8 =	vld [tilespmem:s26+$0xFFFFFEB0];
	[tilespmem:s23+$0x110] =	vst v5  }
0x2d2: {  	[tilespmem:s23+$0xFFFFFE10] =	vst v7;
	v5 =	vld.idx.msk [tilespmem:v6+s6+$0x0], $0xffff  }
0x2d3: {  	v6 =	vld [tilespmem:s26+$0xFFFFFC30]  }
0x2d4: {  	v7 =	vld [tilespmem:s26+$0xFFFFFF30]  }
0x2d5: {  	v4 =	vld.idx.msk [tilespmem:v4+s6+$0x0], $0xffff  }
0x2d6: {  	v1 =	vld.idx.msk [tilespmem:v1+s6+$0x0], $0xffff  }
0x2d7: {  	v2 =	vld.idx.msk [tilespmem:v2+s6+$0x0], $0xffff  }
0x2d8: {  	v3 =	vld.idx.msk [tilespmem:v3+s6+$0x0], $0xffff;
	[tilespmem:s23+$0x1A0] =	vst v5  }
0x2d9: {  	v5 =	vld [tilespmem:s26+$0xFFFFFFC0]  }
0x2da: {  	v8 =	vld.idx.msk [tilespmem:v8+s6+$0x0], $0xffff  }
0x2db: {  	v6 =	vld.idx.msk [tilespmem:v6+s6+$0x0], $0xffff;
	[tilespmem:s23+$0xFFFFFEA0] =	vst v4  }
0x2dc: {  	[tilespmem:s23+$0xFFFFFF20] =	vst v1;
	v1 =	vld.idx.msk [tilespmem:v7+s6+$0x0], $0xffff  }
0x2dd: {  	v4 =	vld [tilespmem:s26+$0xFFFFFCC0];
	[tilespmem:s23+$0xFFFFFFA0] =	vst v2  }
0x2de: {  	v2 =	vld [tilespmem:s26+$0xFFFFFD40];
	[tilespmem:s23+$0x20] =	vst v3  }
0x2df: {  	v3 =	vld [tilespmem:s26+$0xFFFFFDC0]  }
0x2e0: {  	v7 =	vld [tilespmem:s26+$0xFFFFFE40];
	[tilespmem:s23+$0xA0] =	vst v8  }
0x2e1: {  	[tilespmem:s23+$0xFFFFFE20] =	vst v6;
	v5 =	vld.idx.msk [tilespmem:v5+s6+$0x0], $0xffff  }
0x2e2: {  	v6 =	vld [tilespmem:s26+$0xFFFFFC40];
	[tilespmem:s23+$0x120] =	vst v1  }
0x2e3: {  	v1 =	vld [tilespmem:s26+$0xFFFFFEC0]  }
0x2e4: {  	v8 =	vld [tilespmem:s26+$0xFFFFFF40]  }
0x2e5: {  	v4 =	vld.idx.msk [tilespmem:v4+s6+$0x0], $0xffff  }
0x2e6: {  	v2 =	vld.idx.msk [tilespmem:v2+s6+$0x0], $0xffff  }
0x2e7: {  	v3 =	vld.idx.msk [tilespmem:v3+s6+$0x0], $0xffff;
	[tilespmem:s23+$0x1B0] =	vst v5  }
0x2e8: {  	v5 =	vld [tilespmem:s26+$0xFFFFFFD0]  }
0x2e9: {  	v7 =	vld.idx.msk [tilespmem:v7+s6+$0x0], $0xffff  }
0x2ea: {  	v6 =	vld.idx.msk [tilespmem:v6+s6+$0x0], $0xffff  }
0x2eb: {  	[tilespmem:s23+$0xFFFFFEB0] =	vst v4;
	v1 =	vld.idx.msk [tilespmem:v1+s6+$0x0], $0xffff  }
0x2ec: {  	[tilespmem:s23+$0xFFFFFF30] =	vst v2;
	v2 =	vld.idx.msk [tilespmem:v8+s6+$0x0], $0xffff  }
0x2ed: {  	v4 =	vld [tilespmem:s26+$0xFFFFFCD0];
	[tilespmem:s23+$0xFFFFFFB0] =	vst v3  }
0x2ee: {  	v3 =	vld [tilespmem:s26+$0xFFFFFD50]  }
0x2ef: {  	v8 =	vld [tilespmem:s26+$0xFFFFFDD0];
	[tilespmem:s23+$0x30] =	vst v7  }
0x2f0: {  	[tilespmem:s23+$0xFFFFFE30] =	vst v6;
	v5 =	vld.idx.msk [tilespmem:v5+s6+$0x0], $0xffff  }
0x2f1: {  	v6 =	vld [tilespmem:s26+$0xFFFFFC50];
	[tilespmem:s23+$0xB0] =	vst v1  }
0x2f2: {  	v1 =	vld [tilespmem:s26+$0xFFFFFE50];
	[tilespmem:s23+$0x130] =	vst v2  }
0x2f3: {  	v2 =	vld [tilespmem:s26+$0xFFFFFED0]  }
0x2f4: {  	v7 =	vld [tilespmem:s26+$0xFFFFFF50]  }
0x2f5: {  	v4 =	vld.idx.msk [tilespmem:v4+s6+$0x0], $0xffff  }
0x2f6: {  	v3 =	vld.idx.msk [tilespmem:v3+s6+$0x0], $0xffff;
	[tilespmem:s23+$0x1C0] =	vst v5  }
0x2f7: {  	v5 =	vld [tilespmem:s26+$0xFFFFFFE0]  }
0x2f8: {  	v8 =	vld.idx.msk [tilespmem:v8+s6+$0x0], $0xffff  }
0x2f9: {  	v6 =	vld.idx.msk [tilespmem:v6+s6+$0x0], $0xffff  }
0x2fa: {  	v1 =	vld.idx.msk [tilespmem:v1+s6+$0x0], $0xffff  }
0x2fb: {  	[tilespmem:s23+$0xFFFFFEC0] =	vst v4;
	v2 =	vld.idx.msk [tilespmem:v2+s6+$0x0], $0xffff  }
0x2fc: {  	[tilespmem:s23+$0xFFFFFF40] =	vst v3;
	v3 =	vld.idx.msk [tilespmem:v7+s6+$0x0], $0xffff  }
0x2fd: {  	v4 =	vld [tilespmem:s26+$0xFFFFFCE0]  }
0x2fe: {  	v7 =	vld [tilespmem:s26+$0xFFFFFD60];
	[tilespmem:s23+$0xFFFFFFC0] =	vst v8  }
0x2ff: {  	[tilespmem:s23+$0xFFFFFE40] =	vst v6;
	v5 =	vld.idx.msk [tilespmem:v5+s6+$0x0], $0xffff  }
0x300: {  	v6 =	vld [tilespmem:s26+$0xFFFFFC60];
	[tilespmem:s23+$0x40] =	vst v1  }
0x301: {  	v1 =	vld [tilespmem:s26+$0xFFFFFDE0];
	[tilespmem:s23+$0xC0] =	vst v2  }
0x302: {  	v2 =	vld [tilespmem:s26+$0xFFFFFE60];
	[tilespmem:s23+$0x140] =	vst v3  }
0x303: {  	v3 =	vld [tilespmem:s26+$0xFFFFFEE0]  }
0x304: {  	v8 =	vld [tilespmem:s26+$0xFFFFFF60]  }
0x305: {  	v4 =	vld.idx.msk [tilespmem:v4+s6+$0x0], $0xffff;
	[tilespmem:s23+$0x1D0] =	vst v5  }
0x306: {  	v5 =	vld [tilespmem:s26+$0xFFFFFFF0]  }
0x307: {  	v7 =	vld.idx.msk [tilespmem:v7+s6+$0x0], $0xffff  }
0x308: {  	v6 =	vld.idx.msk [tilespmem:v6+s6+$0x0], $0xffff  }
0x309: {  	v1 =	vld.idx.msk [tilespmem:v1+s6+$0x0], $0xffff  }
0x30a: {  	v2 =	vld.idx.msk [tilespmem:v2+s6+$0x0], $0xffff  }
0x30b: {  	[tilespmem:s23+$0xFFFFFED0] =	vst v4;
	v3 =	vld.idx.msk [tilespmem:v3+s6+$0x0], $0xffff  }
0x30c: {  	v4 =	vld.idx.msk [tilespmem:v8+s6+$0x0], $0xffff  }
0x30d: {  	v8 =	vld [tilespmem:s26+$0xFFFFFCF0];
	[tilespmem:s23+$0xFFFFFF50] =	vst v7  }
0x30e: {  	[tilespmem:s23+$0xFFFFFE50] =	vst v6;
	v5 =	vld.idx.msk [tilespmem:v5+s6+$0x0], $0xffff  }
0x30f: {  	v6 =	vld [tilespmem:s26+$0xFFFFFC70];
	[tilespmem:s23+$0xFFFFFFD0] =	vst v1  }
0x310: {  	v1 =	vld [tilespmem:s26+$0xFFFFFD70];
	[tilespmem:s23+$0x50] =	vst v2  }
0x311: {  	v2 =	vld [tilespmem:s26+$0xFFFFFDF0];
	[tilespmem:s23+$0xD0] =	vst v3  }
0x312: {  	v3 =	vld [tilespmem:s26+$0xFFFFFE70];
	[tilespmem:s23+$0x150] =	vst v4  }
0x313: {  	v4 =	vld [tilespmem:s26+$0xFFFFFEF0]  }
0x314: {  	v7 =	vld [tilespmem:s26+$0xFFFFFF70];
	[tilespmem:s23+$0x1E0] =	vst v5  }
0x315: {  	v5 =	vld [tilespmem:s26+$0x0]  }
0x316: {  	v8 =	vld.idx.msk [tilespmem:v8+s6+$0x0], $0xffff  }
0x317: {  	v6 =	vld.idx.msk [tilespmem:v6+s6+$0x0], $0xffff  }
0x318: {  	v1 =	vld.idx.msk [tilespmem:v1+s6+$0x0], $0xffff  }
0x319: {  	v2 =	vld.idx.msk [tilespmem:v2+s6+$0x0], $0xffff  }
0x31a: {  	v3 =	vld.idx.msk [tilespmem:v3+s6+$0x0], $0xffff  }
0x31b: {  	v4 =	vld.idx.msk [tilespmem:v4+s6+$0x0], $0xffff  }
0x31c: {  	[tilespmem:s23+$0xFFFFFEE0] =	vst v8;
	v7 =	vld.idx.msk [tilespmem:v7+s6+$0x0], $0xffff  }
0x31d: {  	[tilespmem:s23+$0xFFFFFE60] =	vst v6;
	v5 =	vld.idx.msk [tilespmem:v5+s6+$0x0], $0xffff  }
0x31e: {  	v6 =	vld [tilespmem:s26+$0xFFFFFC80];
	[tilespmem:s23+$0xFFFFFF60] =	vst v1  }
0x31f: {  	v1 =	vld [tilespmem:s26+$0xFFFFFD00];
	[tilespmem:s23+$0xFFFFFFE0] =	vst v2  }
0x320: {  	v2 =	vld [tilespmem:s26+$0xFFFFFD80];
	[tilespmem:s23+$0x60] =	vst v3  }
0x321: {  	v3 =	vld [tilespmem:s26+$0xFFFFFE00];
	[tilespmem:s23+$0xE0] =	vst v4  }
0x322: {  	v8 =	vld [tilespmem:s26+$0xFFFFFE80];
	[tilespmem:s23+$0x160] =	vst v7  }
0x323: {  	v7 =	vld [tilespmem:s26+$0xFFFFFF00];
	[tilespmem:s23+$0x1F0] =	vst v5  }
0x324: {  	v9 =	vld [tilespmem:s26+$0xFFFFFF80]  }
0x325: {  	v10 =	vld.idx.msk [tilespmem:v0+s6+$0x0], $0xffff  }
0x326: {  	v6 =	vld.idx.msk [tilespmem:v6+s6+$0x0], $0xffff  }
.Ltmp2:
0x327: {  	v5 =	vld.idx.msk [tilespmem:v1+s6+$0x0], $0xffff;
	(pc) =	sbr.rel @p0 .LBB2_7-.Ltmp2, $4  }
0x328: {  	v4 =	vld.idx.msk [tilespmem:v2+s6+$0x0], $0xffff  }
0x329: {  	v1 =	vld.idx.msk [tilespmem:v3+s6+$0x0], $0xffff;
	v0 =	vmov v9  }
0x32a: {  	v2 =	vld.idx.msk [tilespmem:v8+s6+$0x0], $0xffff  }
0x32b: {  	s26 =	sadd.s32 $0x400, s26;
	v3 =	vld.idx.msk [tilespmem:v7+s6+$0x0], $0xffff;
	[tilespmem:s24+$0x170] =	vst v10;
	s24 =	smov.u32 s23  }
0x32c: {  	_ =	sdelay $0x2  }
0x32d: {  	[tilespmem:s23+$0xFFFFFE70] =	vst v6  }
0x32e: {  	[tilespmem:s23+$0xFFFFFEF0] =	vst v5;
	v0 =	vld.idx.msk [tilespmem:v0+s6+$0x0], $0xffff  }
0x32f: {  	[tilespmem:s23+$0xFFFFFF70] =	vst v4  }
0x330: {  	[tilespmem:s23+$0xFFFFFFF0] =	vst v1  }
0x331: {  	s25 =	sadd.s32 $0x10000, s22;
	[tilespmem:s23+$0x70] =	vst v2  }
0x332: {  	s30 =	sshrl.u32 s25, $0x3;
	[tilespmem:s23+$0xF0] =	vst v3  }
0x333: {  	s23 =	sadd.s32 s4, s30;
	[tilespmem:s24+$0x170] =	vst v0  }
0x334: {  	[hbm4b:s23+s10] =	stream.strided.scatter [tilespmem:s15], [sflag:$0x3], $0x1000, s11, s10, $0x38;
	[tilespmem:$0x1E700] =	vst v63  }
0x335: {  	_ =	swait.ge [sflag:s18], $0x1000  }
0x336: {  	[sflag:s18] =	ssyncset.done $0x0  }
0x337: {  	s31 =	simm.s32 $0x1BAF0;
	[sflag:s18] =	ssyncadd.s32 $0xFFFFF000  }
0x338: {  	v0 =	vld [tilespmem:s31+$0xFFFFFF90]  }
0x339: {  	v1 =	vld [tilespmem:s31+$0xFFFFFC90]  }
0x33a: {  	v2 =	vld [tilespmem:s31+$0xFFFFFD10]  }
0x33b: {  	v3 =	vld [tilespmem:s31+$0xFFFFFD90]  }
0x33c: {  	v4 =	vld [tilespmem:s31+$0xFFFFFE10]  }
0x33d: {  	v5 =	vld [tilespmem:s31+$0xFFFFFE90]  }
0x33e: {  	v6 =	vld [tilespmem:s31+$0xFFFFFF10]  }
0x33f: {  	v7 =	vld [tilespmem:s31+$0xFFFFFC10]  }
0x340: {  	v0 =	vld.idx.msk [tilespmem:v0+s6+$0x0], $0xffff  }
0x341: {  	v1 =	vld.idx.msk [tilespmem:v1+s6+$0x0], $0xffff  }
0x342: {  	v2 =	vld.idx.msk [tilespmem:v2+s6+$0x0], $0xffff  }
0x343: {  	v3 =	vld.idx.msk [tilespmem:v3+s6+$0x0], $0xffff  }
0x344: {  	v4 =	vld.idx.msk [tilespmem:v4+s6+$0x0], $0xffff  }
0x345: {  	s23 =	simm.s32 $0x1D900;
	v5 =	vld.idx.msk [tilespmem:v5+s6+$0x0], $0xffff  }
0x346: {  	v6 =	vld.idx.msk [tilespmem:v6+s6+$0x0], $0xffff;
	[tilespmem:s23+$0x180] =	vst v0  }
0x347: {  	[tilespmem:s23+$0xFFFFFE80] =	vst v1;
	v1 =	vld.idx.msk [tilespmem:v7+s6+$0x0], $0xffff  }
0x348: {  	v0 =	vld [tilespmem:s31+$0xFFFFFFA0]  }
0x349: {  	[tilespmem:s23+$0xFFFFFF00] =	vst v2;
	v2 =	vld [tilespmem:s31+$0xFFFFFCA0]  }
0x34a: {  	[tilespmem:s23+$0xFFFFFF80] =	vst v3;
	v3 =	vld [tilespmem:s31+$0xFFFFFD20]  }
0x34b: {  	[tilespmem:s23+$0x0] =	vst v4;
	v4 =	vld [tilespmem:s31+$0xFFFFFDA0]  }
0x34c: {  	[tilespmem:s23+$0x80] =	vst v5;
	v5 =	vld [tilespmem:s31+$0xFFFFFE20]  }
0x34d: {  	[tilespmem:s23+$0x100] =	vst v6;
	v6 =	vld [tilespmem:s31+$0xFFFFFEA0]  }
0x34e: {  	v7 =	vld [tilespmem:s31+$0xFFFFFF20];
	[tilespmem:s23+$0xFFFFFE00] =	vst v1  }
0x34f: {  	v1 =	vld [tilespmem:s31+$0xFFFFFC20]  }
0x350: {  	v0 =	vld.idx.msk [tilespmem:v0+s6+$0x0], $0xffff  }
0x351: {  	v2 =	vld.idx.msk [tilespmem:v2+s6+$0x0], $0xffff  }
0x352: {  	v3 =	vld.idx.msk [tilespmem:v3+s6+$0x0], $0xffff  }
0x353: {  	v4 =	vld.idx.msk [tilespmem:v4+s6+$0x0], $0xffff  }
0x354: {  	v5 =	vld.idx.msk [tilespmem:v5+s6+$0x0], $0xffff  }
0x355: {  	v6 =	vld.idx.msk [tilespmem:v6+s6+$0x0], $0xffff  }
0x356: {  	v7 =	vld.idx.msk [tilespmem:v7+s6+$0x0], $0xffff  }
0x357: {  	[tilespmem:s23+$0x190] =	vst v0;
	v1 =	vld.idx.msk [tilespmem:v1+s6+$0x0], $0xffff  }
0x358: {  	[tilespmem:s23+$0xFFFFFE90] =	vst v2;
	v0 =	vld [tilespmem:s31+$0xFFFFFFB0]  }
0x359: {  	[tilespmem:s23+$0xFFFFFF10] =	vst v3;
	v2 =	vld [tilespmem:s31+$0xFFFFFCB0]  }
0x35a: {  	[tilespmem:s23+$0xFFFFFF90] =	vst v4;
	v3 =	vld [tilespmem:s31+$0xFFFFFD30]  }
0x35b: {  	[tilespmem:s23+$0x10] =	vst v5;
	v4 =	vld [tilespmem:s31+$0xFFFFFDB0]  }
0x35c: {  	[tilespmem:s23+$0x90] =	vst v6;
	v5 =	vld [tilespmem:s31+$0xFFFFFE30]  }
0x35d: {  	v6 =	vld [tilespmem:s31+$0xFFFFFEB0];
	[tilespmem:s23+$0xFFFFFE10] =	vst v1  }
0x35e: {  	[tilespmem:s23+$0x110] =	vst v7;
	v1 =	vld [tilespmem:s31+$0xFFFFFC30]  }
0x35f: {  	v7 =	vld [tilespmem:s31+$0xFFFFFF30]  }
0x360: {  	v0 =	vld.idx.msk [tilespmem:v0+s6+$0x0], $0xffff  }
0x361: {  	v2 =	vld.idx.msk [tilespmem:v2+s6+$0x0], $0xffff  }
0x362: {  	v3 =	vld.idx.msk [tilespmem:v3+s6+$0x0], $0xffff  }
0x363: {  	v4 =	vld.idx.msk [tilespmem:v4+s6+$0x0], $0xffff  }
0x364: {  	v5 =	vld.idx.msk [tilespmem:v5+s6+$0x0], $0xffff  }
0x365: {  	v6 =	vld.idx.msk [tilespmem:v6+s6+$0x0], $0xffff  }
0x366: {  	[tilespmem:s23+$0x1A0] =	vst v0;
	v1 =	vld.idx.msk [tilespmem:v1+s6+$0x0], $0xffff  }
0x367: {  	[tilespmem:s23+$0xFFFFFEA0] =	vst v2;
	v2 =	vld.idx.msk [tilespmem:v7+s6+$0x0], $0xffff  }
0x368: {  	[tilespmem:s23+$0xFFFFFF20] =	vst v3;
	v0 =	vld [tilespmem:s31+$0xFFFFFFC0]  }
0x369: {  	[tilespmem:s23+$0xFFFFFFA0] =	vst v4;
	v3 =	vld [tilespmem:s31+$0xFFFFFCC0]  }
0x36a: {  	[tilespmem:s23+$0x20] =	vst v5;
	v4 =	vld [tilespmem:s31+$0xFFFFFD40]  }
0x36b: {  	[tilespmem:s23+$0xA0] =	vst v6;
	v5 =	vld [tilespmem:s31+$0xFFFFFDC0]  }
0x36c: {  	v7 =	vld [tilespmem:s31+$0xFFFFFE40];
	[tilespmem:s23+$0xFFFFFE20] =	vst v1  }
0x36d: {  	[tilespmem:s23+$0x120] =	vst v2;
	v2 =	vld [tilespmem:s31+$0xFFFFFEC0]  }
0x36e: {  	v1 =	vld [tilespmem:s31+$0xFFFFFC40]  }
0x36f: {  	v6 =	vld [tilespmem:s31+$0xFFFFFF40]  }
0x370: {  	v0 =	vld.idx.msk [tilespmem:v0+s6+$0x0], $0xffff  }
0x371: {  	v3 =	vld.idx.msk [tilespmem:v3+s6+$0x0], $0xffff  }
0x372: {  	v4 =	vld.idx.msk [tilespmem:v4+s6+$0x0], $0xffff  }
0x373: {  	v5 =	vld.idx.msk [tilespmem:v5+s6+$0x0], $0xffff  }
0x374: {  	v7 =	vld.idx.msk [tilespmem:v7+s6+$0x0], $0xffff  }
0x375: {  	v2 =	vld.idx.msk [tilespmem:v2+s6+$0x0], $0xffff  }
0x376: {  	[tilespmem:s23+$0x1B0] =	vst v0;
	v1 =	vld.idx.msk [tilespmem:v1+s6+$0x0], $0xffff  }
0x377: {  	[tilespmem:s23+$0xFFFFFEB0] =	vst v3;
	v3 =	vld.idx.msk [tilespmem:v6+s6+$0x0], $0xffff  }
0x378: {  	[tilespmem:s23+$0xFFFFFF30] =	vst v4;
	v0 =	vld [tilespmem:s31+$0xFFFFFFD0]  }
0x379: {  	[tilespmem:s23+$0xFFFFFFB0] =	vst v5;
	v4 =	vld [tilespmem:s31+$0xFFFFFCD0]  }
0x37a: {  	[tilespmem:s23+$0x30] =	vst v7;
	v5 =	vld [tilespmem:s31+$0xFFFFFD50]  }
0x37b: {  	v6 =	vld [tilespmem:s31+$0xFFFFFDD0];
	[tilespmem:s23+$0xB0] =	vst v2  }
0x37c: {  	v2 =	vld [tilespmem:s31+$0xFFFFFE50];
	[tilespmem:s23+$0xFFFFFE30] =	vst v1  }
0x37d: {  	[tilespmem:s23+$0x130] =	vst v3;
	v3 =	vld [tilespmem:s31+$0xFFFFFED0]  }
0x37e: {  	v1 =	vld [tilespmem:s31+$0xFFFFFC50]  }
0x37f: {  	v7 =	vld [tilespmem:s31+$0xFFFFFF50]  }
0x380: {  	v0 =	vld.idx.msk [tilespmem:v0+s6+$0x0], $0xffff  }
0x381: {  	v4 =	vld.idx.msk [tilespmem:v4+s6+$0x0], $0xffff  }
0x382: {  	v5 =	vld.idx.msk [tilespmem:v5+s6+$0x0], $0xffff  }
0x383: {  	v6 =	vld.idx.msk [tilespmem:v6+s6+$0x0], $0xffff  }
0x384: {  	v2 =	vld.idx.msk [tilespmem:v2+s6+$0x0], $0xffff  }
0x385: {  	v3 =	vld.idx.msk [tilespmem:v3+s6+$0x0], $0xffff  }
0x386: {  	[tilespmem:s23+$0x1C0] =	vst v0;
	v1 =	vld.idx.msk [tilespmem:v1+s6+$0x0], $0xffff  }
0x387: {  	[tilespmem:s23+$0xFFFFFEC0] =	vst v4;
	v4 =	vld.idx.msk [tilespmem:v7+s6+$0x0], $0xffff  }
0x388: {  	[tilespmem:s23+$0xFFFFFF40] =	vst v5;
	v0 =	vld [tilespmem:s31+$0xFFFFFFE0]  }
0x389: {  	[tilespmem:s23+$0xFFFFFFC0] =	vst v6;
	v5 =	vld [tilespmem:s31+$0xFFFFFCE0]  }
0x38a: {  	v7 =	vld [tilespmem:s31+$0xFFFFFD60];
	[tilespmem:s23+$0x40] =	vst v2  }
0x38b: {  	v2 =	vld [tilespmem:s31+$0xFFFFFDE0];
	[tilespmem:s23+$0xC0] =	vst v3  }
0x38c: {  	v3 =	vld [tilespmem:s31+$0xFFFFFE60];
	[tilespmem:s23+$0xFFFFFE40] =	vst v1  }
0x38d: {  	[tilespmem:s23+$0x140] =	vst v4;
	v4 =	vld [tilespmem:s31+$0xFFFFFEE0]  }
0x38e: {  	v1 =	vld [tilespmem:s31+$0xFFFFFC60]  }
0x38f: {  	v6 =	vld [tilespmem:s31+$0xFFFFFF60]  }
0x390: {  	v0 =	vld.idx.msk [tilespmem:v0+s6+$0x0], $0xffff  }
0x391: {  	v5 =	vld.idx.msk [tilespmem:v5+s6+$0x0], $0xffff  }
0x392: {  	v7 =	vld.idx.msk [tilespmem:v7+s6+$0x0], $0xffff  }
0x393: {  	v2 =	vld.idx.msk [tilespmem:v2+s6+$0x0], $0xffff  }
0x394: {  	v3 =	vld.idx.msk [tilespmem:v3+s6+$0x0], $0xffff  }
0x395: {  	v4 =	vld.idx.msk [tilespmem:v4+s6+$0x0], $0xffff  }
0x396: {  	[tilespmem:s23+$0x1D0] =	vst v0;
	v1 =	vld.idx.msk [tilespmem:v1+s6+$0x0], $0xffff  }
0x397: {  	[tilespmem:s23+$0xFFFFFED0] =	vst v5;
	v5 =	vld.idx.msk [tilespmem:v6+s6+$0x0], $0xffff  }
0x398: {  	[tilespmem:s23+$0xFFFFFF50] =	vst v7;
	v0 =	vld [tilespmem:s31+$0xFFFFFFF0]  }
0x399: {  	v6 =	vld [tilespmem:s31+$0xFFFFFCF0];
	[tilespmem:s23+$0xFFFFFFD0] =	vst v2  }
0x39a: {  	v2 =	vld [tilespmem:s31+$0xFFFFFD70];
	[tilespmem:s23+$0x50] =	vst v3  }
0x39b: {  	v3 =	vld [tilespmem:s31+$0xFFFFFDF0];
	[tilespmem:s23+$0xFFFFFE50] =	vst v1  }
0x39c: {  	v1 =	vld [tilespmem:s31+$0xFFFFFC70]  }
0x39d: {  	[tilespmem:s23+$0xD0] =	vst v4;
	v4 =	vld [tilespmem:s31+$0xFFFFFE70]  }
0x39e: {  	[tilespmem:s23+$0x150] =	vst v5;
	v5 =	vld [tilespmem:s31+$0xFFFFFEF0]  }
0x39f: {  	v7 =	vld [tilespmem:s31+$0xFFFFFF70]  }
0x3a0: {  	v0 =	vld.idx.msk [tilespmem:v0+s6+$0x0], $0xffff  }
0x3a1: {  	v6 =	vld.idx.msk [tilespmem:v6+s6+$0x0], $0xffff  }
0x3a2: {  	v2 =	vld.idx.msk [tilespmem:v2+s6+$0x0], $0xffff  }
0x3a3: {  	v3 =	vld.idx.msk [tilespmem:v3+s6+$0x0], $0xffff  }
0x3a4: {  	v1 =	vld.idx.msk [tilespmem:v1+s6+$0x0], $0xffff  }
0x3a5: {  	v4 =	vld.idx.msk [tilespmem:v4+s6+$0x0], $0xffff  }
0x3a6: {  	v5 =	vld.idx.msk [tilespmem:v5+s6+$0x0], $0xffff;
	[tilespmem:s23+$0x1E0] =	vst v0  }
0x3a7: {  	[tilespmem:s23+$0xFFFFFEE0] =	vst v6;
	v0 =	vld [tilespmem:s31+$0x0]  }
0x3a8: {  	v7 =	vld.idx.msk [tilespmem:v7+s6+$0x0], $0xffff;
	[tilespmem:s23+$0xFFFFFF60] =	vst v2  }
0x3a9: {  	v2 =	vld [tilespmem:s31+$0xFFFFFD00];
	[tilespmem:s23+$0xFFFFFE60] =	vst v1  }
0x3aa: {  	[tilespmem:s23+$0xFFFFFFE0] =	vst v3;
	v1 =	vld [tilespmem:s31+$0xFFFFFC80]  }
0x3ab: {  	v3 =	vld [tilespmem:s31+$0xFFFFFD80];
	[tilespmem:s23+$0x60] =	vst v4  }
0x3ac: {  	v9 =	vld [tilespmem:s31+$0xFFFFFE80]  }
0x3ad: {  	v8 =	vld [tilespmem:s31+$0xFFFFFE00];
	[tilespmem:s23+$0xE0] =	vst v5  }
0x3ae: {  	v10 =	vld [tilespmem:s31+$0xFFFFFF00]  }
0x3af: {  	[tilespmem:s23+$0x160] =	vst v7;
	v11 =	vld.idx.msk [tilespmem:v0+s6+$0x0], $0xffff  }
0x3b0: {  	v0 =	vld [tilespmem:s31+$0xFFFFFF80]  }
0x3b1: {  	v5 =	vld.idx.msk [tilespmem:v2+s6+$0x0], $0xffff  }
0x3b2: {  	v6 =	vld.idx.msk [tilespmem:v1+s6+$0x0], $0xffff  }
0x3b3: {  	v4 =	vld.idx.msk [tilespmem:v3+s6+$0x0], $0xffff  }
0x3b4: {  	v2 =	vld.idx.msk [tilespmem:v9+s6+$0x0], $0xffff  }
0x3b5: {  	v1 =	vld.idx.msk [tilespmem:v8+s6+$0x0], $0xffff  }
0x3b6: {  	s26 =	simm.s32 $0x1BEF0;
	s25 =	simm.s32 $0x0;
	s24 =	simm.s32 $0x1D900;
	v3 =	vld.idx.msk [tilespmem:v10+s6+$0x0], $0xffff;
	[tilespmem:s23+$0x1F0] =	vst v11  }
.LBB2_9:
0x3b7: {  	v7 =	vld [tilespmem:s26+$0xFFFFFF90];
	s25 =	sadd.s32 $0x8, s25;
	[tilespmem:s23+$0xFFFFFE70] =	vst v6  }
0x3b8: {  	v6 =	vld [tilespmem:s26+$0xFFFFFC90];
	p0 =	slt.u32 s25, $0x18;
	[tilespmem:s23+$0xFFFFFEF0] =	vst v5  }
0x3b9: {  	v5 =	vld [tilespmem:s26+$0xFFFFFD10];
	[tilespmem:s23+$0xFFFFFF70] =	vst v4  }
0x3ba: {  	v4 =	vld [tilespmem:s26+$0xFFFFFD90];
	[tilespmem:s23+$0xFFFFFFF0] =	vst v1  }
0x3bb: {  	v1 =	vld [tilespmem:s26+$0xFFFFFE10];
	[tilespmem:s23+$0x70] =	vst v2  }
0x3bc: {  	v2 =	vld [tilespmem:s26+$0xFFFFFE90];
	[tilespmem:s23+$0xF0] =	vst v3  }
0x3bd: {  	v3 =	vld [tilespmem:s26+$0xFFFFFF10]  }
0x3be: {  	v8 =	vld [tilespmem:s26+$0xFFFFFC10]  }
0x3bf: {  	v7 =	vld.idx.msk [tilespmem:v7+s6+$0x0], $0xffff  }
0x3c0: {  	v6 =	vld.idx.msk [tilespmem:v6+s6+$0x0], $0xffff  }
0x3c1: {  	v5 =	vld.idx.msk [tilespmem:v5+s6+$0x0], $0xffff  }
0x3c2: {  	v4 =	vld.idx.msk [tilespmem:v4+s6+$0x0], $0xffff  }
0x3c3: {  	v1 =	vld.idx.msk [tilespmem:v1+s6+$0x0], $0xffff  }
0x3c4: {  	s23 =	sadd.s32 $0x400, s23;
	v2 =	vld.idx.msk [tilespmem:v2+s6+$0x0], $0xffff  }
0x3c5: {  	v3 =	vld.idx.msk [tilespmem:v3+s6+$0x0], $0xffff;
	[tilespmem:s23+$0x180] =	vst v7  }
0x3c6: {  	[tilespmem:s23+$0xFFFFFE80] =	vst v6;
	v6 =	vld [tilespmem:s26+$0xFFFFFFA0]  }
0x3c7: {  	v7 =	vld.idx.msk [tilespmem:v8+s6+$0x0], $0xffff;
	[tilespmem:s23+$0xFFFFFF00] =	vst v5  }
0x3c8: {  	v5 =	vld [tilespmem:s26+$0xFFFFFCA0];
	[tilespmem:s23+$0xFFFFFF80] =	vst v4  }
0x3c9: {  	v4 =	vld [tilespmem:s26+$0xFFFFFD20];
	[tilespmem:s23+$0x0] =	vst v1  }
0x3ca: {  	v1 =	vld [tilespmem:s26+$0xFFFFFDA0];
	[tilespmem:s23+$0x80] =	vst v2  }
0x3cb: {  	v2 =	vld [tilespmem:s26+$0xFFFFFE20];
	[tilespmem:s23+$0x100] =	vst v3  }
0x3cc: {  	v3 =	vld [tilespmem:s26+$0xFFFFFEA0]  }
0x3cd: {  	[tilespmem:s23+$0xFFFFFE00] =	vst v7;
	v7 =	vld [tilespmem:s26+$0xFFFFFF20]  }
0x3ce: {  	v6 =	vld.idx.msk [tilespmem:v6+s6+$0x0], $0xffff  }
0x3cf: {  	v8 =	vld [tilespmem:s26+$0xFFFFFC20]  }
0x3d0: {  	v5 =	vld.idx.msk [tilespmem:v5+s6+$0x0], $0xffff  }
0x3d1: {  	v4 =	vld.idx.msk [tilespmem:v4+s6+$0x0], $0xffff  }
0x3d2: {  	v1 =	vld.idx.msk [tilespmem:v1+s6+$0x0], $0xffff  }
0x3d3: {  	v2 =	vld.idx.msk [tilespmem:v2+s6+$0x0], $0xffff  }
0x3d4: {  	v3 =	vld.idx.msk [tilespmem:v3+s6+$0x0], $0xffff;
	[tilespmem:s23+$0x190] =	vst v6  }
0x3d5: {  	v6 =	vld [tilespmem:s26+$0xFFFFFFB0]  }
0x3d6: {  	[tilespmem:s23+$0xFFFFFE90] =	vst v5;
	v5 =	vld.idx.msk [tilespmem:v7+s6+$0x0], $0xffff  }
0x3d7: {  	v7 =	vld.idx.msk [tilespmem:v8+s6+$0x0], $0xffff;
	[tilespmem:s23+$0xFFFFFF10] =	vst v4  }
0x3d8: {  	v4 =	vld [tilespmem:s26+$0xFFFFFCB0];
	[tilespmem:s23+$0xFFFFFF90] =	vst v1  }
0x3d9: {  	v1 =	vld [tilespmem:s26+$0xFFFFFD30];
	[tilespmem:s23+$0x10] =	vst v2  }
0x3da: {  	v2 =	vld [tilespmem:s26+$0xFFFFFDB0];
	[tilespmem:s23+$0x90] =	vst v3  }
0x3db: {  	v3 =	vld [tilespmem:s26+$0xFFFFFE30]  }
0x3dc: {  	v8 =	vld [tilespmem:s26+$0xFFFFFEB0];
	[tilespmem:s23+$0x110] =	vst v5  }
0x3dd: {  	[tilespmem:s23+$0xFFFFFE10] =	vst v7;
	v5 =	vld.idx.msk [tilespmem:v6+s6+$0x0], $0xffff  }
0x3de: {  	v6 =	vld [tilespmem:s26+$0xFFFFFC30]  }
0x3df: {  	v7 =	vld [tilespmem:s26+$0xFFFFFF30]  }
0x3e0: {  	v4 =	vld.idx.msk [tilespmem:v4+s6+$0x0], $0xffff  }
0x3e1: {  	v1 =	vld.idx.msk [tilespmem:v1+s6+$0x0], $0xffff  }
0x3e2: {  	v2 =	vld.idx.msk [tilespmem:v2+s6+$0x0], $0xffff  }
0x3e3: {  	v3 =	vld.idx.msk [tilespmem:v3+s6+$0x0], $0xffff;
	[tilespmem:s23+$0x1A0] =	vst v5  }
0x3e4: {  	v5 =	vld [tilespmem:s26+$0xFFFFFFC0]  }
0x3e5: {  	v8 =	vld.idx.msk [tilespmem:v8+s6+$0x0], $0xffff  }
0x3e6: {  	v6 =	vld.idx.msk [tilespmem:v6+s6+$0x0], $0xffff;
	[tilespmem:s23+$0xFFFFFEA0] =	vst v4  }
0x3e7: {  	[tilespmem:s23+$0xFFFFFF20] =	vst v1;
	v1 =	vld.idx.msk [tilespmem:v7+s6+$0x0], $0xffff  }
0x3e8: {  	v4 =	vld [tilespmem:s26+$0xFFFFFCC0];
	[tilespmem:s23+$0xFFFFFFA0] =	vst v2  }
0x3e9: {  	v2 =	vld [tilespmem:s26+$0xFFFFFD40];
	[tilespmem:s23+$0x20] =	vst v3  }
0x3ea: {  	v3 =	vld [tilespmem:s26+$0xFFFFFDC0]  }
0x3eb: {  	v7 =	vld [tilespmem:s26+$0xFFFFFE40];
	[tilespmem:s23+$0xA0] =	vst v8  }
0x3ec: {  	[tilespmem:s23+$0xFFFFFE20] =	vst v6;
	v5 =	vld.idx.msk [tilespmem:v5+s6+$0x0], $0xffff  }
0x3ed: {  	v6 =	vld [tilespmem:s26+$0xFFFFFC40];
	[tilespmem:s23+$0x120] =	vst v1  }
0x3ee: {  	v1 =	vld [tilespmem:s26+$0xFFFFFEC0]  }
0x3ef: {  	v8 =	vld [tilespmem:s26+$0xFFFFFF40]  }
0x3f0: {  	v4 =	vld.idx.msk [tilespmem:v4+s6+$0x0], $0xffff  }
0x3f1: {  	v2 =	vld.idx.msk [tilespmem:v2+s6+$0x0], $0xffff  }
0x3f2: {  	v3 =	vld.idx.msk [tilespmem:v3+s6+$0x0], $0xffff;
	[tilespmem:s23+$0x1B0] =	vst v5  }
0x3f3: {  	v5 =	vld [tilespmem:s26+$0xFFFFFFD0]  }
0x3f4: {  	v7 =	vld.idx.msk [tilespmem:v7+s6+$0x0], $0xffff  }
0x3f5: {  	v6 =	vld.idx.msk [tilespmem:v6+s6+$0x0], $0xffff  }
0x3f6: {  	[tilespmem:s23+$0xFFFFFEB0] =	vst v4;
	v1 =	vld.idx.msk [tilespmem:v1+s6+$0x0], $0xffff  }
0x3f7: {  	[tilespmem:s23+$0xFFFFFF30] =	vst v2;
	v2 =	vld.idx.msk [tilespmem:v8+s6+$0x0], $0xffff  }
0x3f8: {  	v4 =	vld [tilespmem:s26+$0xFFFFFCD0];
	[tilespmem:s23+$0xFFFFFFB0] =	vst v3  }
0x3f9: {  	v3 =	vld [tilespmem:s26+$0xFFFFFD50]  }
0x3fa: {  	v8 =	vld [tilespmem:s26+$0xFFFFFDD0];
	[tilespmem:s23+$0x30] =	vst v7  }
0x3fb: {  	[tilespmem:s23+$0xFFFFFE30] =	vst v6;
	v5 =	vld.idx.msk [tilespmem:v5+s6+$0x0], $0xffff  }
0x3fc: {  	v6 =	vld [tilespmem:s26+$0xFFFFFC50];
	[tilespmem:s23+$0xB0] =	vst v1  }
0x3fd: {  	v1 =	vld [tilespmem:s26+$0xFFFFFE50];
	[tilespmem:s23+$0x130] =	vst v2  }
0x3fe: {  	v2 =	vld [tilespmem:s26+$0xFFFFFED0]  }
0x3ff: {  	v7 =	vld [tilespmem:s26+$0xFFFFFF50]  }
0x400: {  	v4 =	vld.idx.msk [tilespmem:v4+s6+$0x0], $0xffff  }
0x401: {  	v3 =	vld.idx.msk [tilespmem:v3+s6+$0x0], $0xffff;
	[tilespmem:s23+$0x1C0] =	vst v5  }
0x402: {  	v5 =	vld [tilespmem:s26+$0xFFFFFFE0]  }
0x403: {  	v8 =	vld.idx.msk [tilespmem:v8+s6+$0x0], $0xffff  }
0x404: {  	v6 =	vld.idx.msk [tilespmem:v6+s6+$0x0], $0xffff  }
0x405: {  	v1 =	vld.idx.msk [tilespmem:v1+s6+$0x0], $0xffff  }
0x406: {  	[tilespmem:s23+$0xFFFFFEC0] =	vst v4;
	v2 =	vld.idx.msk [tilespmem:v2+s6+$0x0], $0xffff  }
0x407: {  	[tilespmem:s23+$0xFFFFFF40] =	vst v3;
	v3 =	vld.idx.msk [tilespmem:v7+s6+$0x0], $0xffff  }
0x408: {  	v4 =	vld [tilespmem:s26+$0xFFFFFCE0]  }
0x409: {  	v7 =	vld [tilespmem:s26+$0xFFFFFD60];
	[tilespmem:s23+$0xFFFFFFC0] =	vst v8  }
0x40a: {  	[tilespmem:s23+$0xFFFFFE40] =	vst v6;
	v5 =	vld.idx.msk [tilespmem:v5+s6+$0x0], $0xffff  }
0x40b: {  	v6 =	vld [tilespmem:s26+$0xFFFFFC60];
	[tilespmem:s23+$0x40] =	vst v1  }
0x40c: {  	v1 =	vld [tilespmem:s26+$0xFFFFFDE0];
	[tilespmem:s23+$0xC0] =	vst v2  }
0x40d: {  	v2 =	vld [tilespmem:s26+$0xFFFFFE60];
	[tilespmem:s23+$0x140] =	vst v3  }
0x40e: {  	v3 =	vld [tilespmem:s26+$0xFFFFFEE0]  }
0x40f: {  	v8 =	vld [tilespmem:s26+$0xFFFFFF60]  }
0x410: {  	v4 =	vld.idx.msk [tilespmem:v4+s6+$0x0], $0xffff;
	[tilespmem:s23+$0x1D0] =	vst v5  }
0x411: {  	v5 =	vld [tilespmem:s26+$0xFFFFFFF0]  }
0x412: {  	v7 =	vld.idx.msk [tilespmem:v7+s6+$0x0], $0xffff  }
0x413: {  	v6 =	vld.idx.msk [tilespmem:v6+s6+$0x0], $0xffff  }
0x414: {  	v1 =	vld.idx.msk [tilespmem:v1+s6+$0x0], $0xffff  }
0x415: {  	v2 =	vld.idx.msk [tilespmem:v2+s6+$0x0], $0xffff  }
0x416: {  	[tilespmem:s23+$0xFFFFFED0] =	vst v4;
	v3 =	vld.idx.msk [tilespmem:v3+s6+$0x0], $0xffff  }
0x417: {  	v4 =	vld.idx.msk [tilespmem:v8+s6+$0x0], $0xffff  }
0x418: {  	v8 =	vld [tilespmem:s26+$0xFFFFFCF0];
	[tilespmem:s23+$0xFFFFFF50] =	vst v7  }
0x419: {  	[tilespmem:s23+$0xFFFFFE50] =	vst v6;
	v5 =	vld.idx.msk [tilespmem:v5+s6+$0x0], $0xffff  }
0x41a: {  	v6 =	vld [tilespmem:s26+$0xFFFFFC70];
	[tilespmem:s23+$0xFFFFFFD0] =	vst v1  }
0x41b: {  	v1 =	vld [tilespmem:s26+$0xFFFFFD70];
	[tilespmem:s23+$0x50] =	vst v2  }
0x41c: {  	v2 =	vld [tilespmem:s26+$0xFFFFFDF0];
	[tilespmem:s23+$0xD0] =	vst v3  }
0x41d: {  	v3 =	vld [tilespmem:s26+$0xFFFFFE70];
	[tilespmem:s23+$0x150] =	vst v4  }
0x41e: {  	v4 =	vld [tilespmem:s26+$0xFFFFFEF0]  }
0x41f: {  	v7 =	vld [tilespmem:s26+$0xFFFFFF70];
	[tilespmem:s23+$0x1E0] =	vst v5  }
0x420: {  	v5 =	vld [tilespmem:s26+$0x0]  }
0x421: {  	v8 =	vld.idx.msk [tilespmem:v8+s6+$0x0], $0xffff  }
0x422: {  	v6 =	vld.idx.msk [tilespmem:v6+s6+$0x0], $0xffff  }
0x423: {  	v1 =	vld.idx.msk [tilespmem:v1+s6+$0x0], $0xffff  }
0x424: {  	v2 =	vld.idx.msk [tilespmem:v2+s6+$0x0], $0xffff  }
0x425: {  	v3 =	vld.idx.msk [tilespmem:v3+s6+$0x0], $0xffff  }
0x426: {  	v4 =	vld.idx.msk [tilespmem:v4+s6+$0x0], $0xffff  }
0x427: {  	[tilespmem:s23+$0xFFFFFEE0] =	vst v8;
	v7 =	vld.idx.msk [tilespmem:v7+s6+$0x0], $0xffff  }
0x428: {  	[tilespmem:s23+$0xFFFFFE60] =	vst v6;
	v5 =	vld.idx.msk [tilespmem:v5+s6+$0x0], $0xffff  }
0x429: {  	v6 =	vld [tilespmem:s26+$0xFFFFFC80];
	[tilespmem:s23+$0xFFFFFF60] =	vst v1  }
0x42a: {  	v1 =	vld [tilespmem:s26+$0xFFFFFD00];
	[tilespmem:s23+$0xFFFFFFE0] =	vst v2  }
0x42b: {  	v2 =	vld [tilespmem:s26+$0xFFFFFD80];
	[tilespmem:s23+$0x60] =	vst v3  }
0x42c: {  	v3 =	vld [tilespmem:s26+$0xFFFFFE00];
	[tilespmem:s23+$0xE0] =	vst v4  }
0x42d: {  	v8 =	vld [tilespmem:s26+$0xFFFFFE80];
	[tilespmem:s23+$0x160] =	vst v7  }
0x42e: {  	v7 =	vld [tilespmem:s26+$0xFFFFFF00];
	[tilespmem:s23+$0x1F0] =	vst v5  }
0x42f: {  	v9 =	vld [tilespmem:s26+$0xFFFFFF80]  }
0x430: {  	v10 =	vld.idx.msk [tilespmem:v0+s6+$0x0], $0xffff  }
0x431: {  	v6 =	vld.idx.msk [tilespmem:v6+s6+$0x0], $0xffff  }
.Ltmp3:
0x432: {  	v5 =	vld.idx.msk [tilespmem:v1+s6+$0x0], $0xffff;
	(pc) =	sbr.rel @p0 .LBB2_9-.Ltmp3, $4  }
0x433: {  	v4 =	vld.idx.msk [tilespmem:v2+s6+$0x0], $0xffff  }
0x434: {  	v1 =	vld.idx.msk [tilespmem:v3+s6+$0x0], $0xffff;
	v0 =	vmov v9  }
0x435: {  	v2 =	vld.idx.msk [tilespmem:v8+s6+$0x0], $0xffff  }
0x436: {  	s26 =	sadd.s32 $0x400, s26;
	v3 =	vld.idx.msk [tilespmem:v7+s6+$0x0], $0xffff;
	[tilespmem:s24+$0x170] =	vst v10;
	s24 =	smov.u32 s23  }
0x437: {  	_ =	sdelay $0x2  }
0x438: {  	[tilespmem:s23+$0xFFFFFE70] =	vst v6  }
0x439: {  	[tilespmem:s23+$0xFFFFFEF0] =	vst v5;
	v0 =	vld.idx.msk [tilespmem:v0+s6+$0x0], $0xffff  }
0x43a: {  	[tilespmem:s23+$0xFFFFFF70] =	vst v4  }
0x43b: {  	[tilespmem:s23+$0xFFFFFFF0] =	vst v1  }
0x43c: {  	s22 =	sadd.s32 $0x18000, s22;
	[tilespmem:s23+$0x70] =	vst v2  }
0x43d: {  	p0 =	seq.s32 s20, $0x33;
	s22 =	sshrl.u32 s22, $0x3;
	[tilespmem:s23+$0xF0] =	vst v3  }
0x43e: {  	s21 =	sadd.s32 @!p0 $0x1, s21;
	s22 =	sadd.s32 s4, s22;
	[tilespmem:s24+$0x170] =	vst v0  }
0x43f: {  	[hbm4b:s22+s10] =	stream.strided.scatter [tilespmem:s16], [sflag:$0x4], $0x1000, s11, s10, $0x38;
	[tilespmem:$0x1E700] =	vst v63  }
0x440: {  	s22 =	sand.u32 @!p0 $0x3F, s21  }
0x441: {  	p1 =	sne.s32 @!p0 s22, $0x0  }
0x442: {  	s22 =	sshrl.u32 @!p0 s21, $0x6;
	p1 =	por p1, p0  }
0x443: {  	s23 =	sshll.u32 @!p1 s22, $0xE;
	s24 =	sshll.u32 @!p1 s22, $0x7  }
0x444: {  	s23 =	sand.u32 @!p1 $0xFFFE0000, s23;
	s24 =	sand.u32 @!p1 $0x380, s24  }
0x445: {  	s23 =	sor.u32 @!p1 s24, s23  }
0x446: {  	s25 =	simm.s32 @!p1 $0x400;
	s23 =	sshrl.u32 @!p1 s23, $0x3  }
0x447: {  	s26 =	simm.s32 @!p1 $0x18700;
	s24 =	simm.s32 @!p1 $0x80;
	s23 =	sadd.s32 @!p1 s3, s23  }
0x448: {  	[tilespmem:s26], [sflag:$0x2] =	stream.strided.gather @!p1 [hbm4b:s23+s24], $0x4000, s25, s24, $0x38;
	[tilespmem:$0x1E700] =	vst v63  }
0x449: {  	s23 =	sshrl.u32 @!p0 s21, $0x3  }
0x44a: {  	s22 =	smul.u32 @!p0 $0x61C000, s22;
	s23 =	sand.u32 @!p0 $0x7, s23  }
0x44b: {  	s23 =	smul.u32 @!p0 $0xC3800, s23  }
0x44c: {  	s21 =	sshll.u32 @!p0 s21, $0x7;
	s24 =	simm.s32 @!p1 $0x2  }
0x44d: {  	s21 =	sand.u32 @!p0 $0x380, s21;
	_ =	swait.ge @!p1 [sflag:s24], $0x4000;
	s22 =	sadd.s32 @!p0 s22, s23  }
0x44e: {  	s20 =	sadd.s32 $0x1, s20;
	[sflag:s24] =	ssyncset.done @!p1 $0x0;
	s21 =	sor.u32 @!p0 s21, s22  }
0x44f: {  	[sflag:s24] =	ssyncadd.s32 @!p1 $0xFFFFC000;
	s24 =	simm.s32 @!p0 $0x0;
	s21 =	sshrl.u32 @!p0 s21, $0x3  }
0x450: {  	s23 =	simm.s32 @!p0 $0x400;
	s22 =	simm.s32 @!p0 $0x80;
	s21 =	sadd.s32 @!p0 s1, s21  }
0x451: {  	[tilespmem:s24], [sflag:$0x1] =	stream.strided.gather @!p0 [hbm4b:s21+s22], $0x18700, s23, s22, $0x38;
	[tilespmem:$0x1E700] =	vst v63  }
0x452: {  	p0 =	sne.s32 s20, $0x34;
	_ =	swait.ge [sflag:s17], $0x1000  }
.Ltmp4:
0x453: {  	[sflag:s17] =	ssyncset.done $0x0;
	(pc) =	sbr.rel @p0 .LBB2_2-.Ltmp4, $4  }
0x454: {  	[sflag:s17] =	ssyncadd.s32 $0xFFFFF000  }
0x455: {  	_ =	swait.ge [sflag:s18], $0x1000  }
0x456: {  	[sflag:s18] =	ssyncset.done $0x0  }
0x457: {  	[sflag:s18] =	ssyncadd.s32 $0xFFFFF000  }
0x458: {  	s19 =	sadd.s32 $0x1, s19  }
0x459: {  	p0 =	sne.s32 s19, s9  }
.Ltmp5:
0x45a: {  	_ = 	snop;
	(pc) =	sbr.rel @p0 .LBB2_1-.Ltmp5, $1  }
0x45b: {  	_ =	sdelay $0x3  }
0x45c: {  	_ =	sfence.sel $0x180000  }
0x45d: {  	[bflag:$0x0] =	sbarrier.arrive $0xFFFF  }
0x45e: {  	p0 =	sne.s32 s0, $0x0;
	_ =	strace $0x90000047  }
0x45f: {  	s0 =	sadd.s32 @!p0 $0x100000, s2;
	[bflag:$0x2] =	sbarrier.arrive $0xFFFF  }
0x460: {  	[sflag:s0] =	ssyncadd.tile.s32 @!p0 $0x1;
	_ =	shalt  }
.Lfunc_end2:
_tile_overlayer_lowered:
.L_overlay_start_2:
0x461: {  	(tag) =	ssettag $0x2  }
0x462: {  	s0 =	rddreg [dreg:$0x0];
	s2 =	stileid.u32  }
0x463: {  	s1 =	rddreg [dreg:$0x1];
	p0 =	sne.s32 s2, $0x0  }
0x464: {  	s3 =	rddreg [dreg:$0x2];
	[bflag:$0x3] =	sbarrier.arrive $0xFFFF;
	s2 =	simm.s32 @!p0 $0x1C05  }
0x465: {  	[timem:s3], [sflag:s2] =	dma.local @!p0 [hbm:s0], s1  }
0x466: {  	s0 =	simm.s32 @!p0 $0x5  }
0x467: {  	_ =	swait.ge @!p0 [sflag:s0], s1  }
0x468: {  	s1 =	ssub.s32 @!p0 $0x0, s1;
	[sflag:s0] =	ssyncset.done @!p0 $0x0  }
0x469: {  	[sflag:s0] =	ssyncadd.s32 @!p0 s1  }
0x46a: {  	[bflag:$0x3] =	sbarrier.arrive $0xFFFF  }
0x46b: {  	_ =	shalt  }

</sc_bundles>
